<compile_context>
chip_gen: v7x
topology: tpu7x:2x2x1
jax: 0.10.2.dev20260603
libtpu: 0.0.44.dev20260713+nightly
codegen_flags: <defaults>
</compile_context>

<pallas_src>
import functools

import numpy as np

import jax
import jax.numpy as jnp
from jax import lax
from jax.experimental import pallas as pl
from jax.experimental.pallas import tpu as pltpu
from jax.experimental.pallas import tpu_sc as plsc

_BS = 8
_ALPHA = 0.1
_BETA = 0.05
_H, _W = 1080, 1920
_NUM_Y = (_H - 2 - _BS) // _BS + 1

_ROWS_PER_BLOCK = 120
_LANES = 16
_NCORES, _NSUB = 2, 16
_NW = _NCORES * _NSUB
_MAXB = -(-_NUM_Y // _NW)
_EXTRA = _NUM_Y - (_MAXB - 1) * _NW
_RSLOT = 8 * (-(-(4 * _MAXB) // 8))
_WSLOT = 8 * (-(-(2 * _MAXB) // 8))
_NFULL = 4 * (_MAXB - 1)
_NW_FULL = 2 * (_MAXB - 1)


def _vert_body(x_ref, o_ref):
    x = x_ref[...]
    c = lax.broadcasted_iota(jnp.int32, x.shape, 1)
    m1 = pltpu.roll(x, 1, 1)
    m2 = pltpu.roll(x, 2, 1)
    s1 = pltpu.roll(x, _W - 1, 1)
    s2 = pltpu.roll(x, _W - 2, 1)
    cmod = c & 7
    mask7 = (cmod == 7) & (c < _W - _BS)
    cond7 = (
        (jnp.abs(x - s1) < _ALPHA)
        & (jnp.abs(m1 - x) < _BETA)
        & (jnp.abs(s2 - s1) < _BETA)
    )
    new7 = (2.0 * m1 + x + s1 + 2.0) * 0.25
    mask0 = (cmod == 0) & (c >= _BS)
    cond0 = (
        (jnp.abs(m1 - x) < _ALPHA)
        & (jnp.abs(m2 - m1) < _BETA)
        & (jnp.abs(s1 - x) < _BETA)
    )
    new0 = (2.0 * s1 + x + m1 + 2.0) * 0.25
    o_ref[...] = jnp.where(
        mask7 & cond7, new7, jnp.where(mask0 & cond0, new0, x)
    )


_vertical = pl.pallas_call(
    _vert_body,
    grid=(_H // _ROWS_PER_BLOCK,),
    in_specs=[pl.BlockSpec((_ROWS_PER_BLOCK, _W), lambda i: (i, 0))],
    out_specs=pl.BlockSpec((_ROWS_PER_BLOCK, _W), lambda i: (i, 0)),
    out_shape=jax.ShapeDtypeStruct((_H, _W), jnp.float32),
    compiler_params=pltpu.CompilerParams(dimension_semantics=("parallel",)),
)


def _boundary_tables():
    counts = [_MAXB if w < _EXTRA else _MAXB - 1 for w in range(_NW)]
    starts = np.cumsum([0] + counts[:-1])
    idx_r = np.zeros((_NW, _RSLOT), np.int32)
    idx_w = np.zeros((_NW, _WSLOT), np.int32)
    for w in range(_NW):
        for j in range(_MAXB):
            y = _BS * (starts[w] + min(j, counts[w] - 1) + 1)
            idx_r[w, 4 * j:4 * j + 4] = [y - 2, y - 1, y, y + 1]
            idx_w[w, 2 * j:2 * j + 2] = [y - 1, y]
        idx_r[w, 4 * _MAXB:] = np.arange(_RSLOT - 4 * _MAXB)
    return idx_r.reshape(-1), idx_w.reshape(-1)


_IDX_R, _IDX_W = _boundary_tables()


@functools.lru_cache(maxsize=None)
def _build_horiz():
    mesh = plsc.VectorSubcoreMesh(
        core_axis_name="c", subcore_axis_name="s",
        num_cores=_NCORES, num_subcores=_NSUB,
    )

    @functools.partial(
        pl.kernel,
        mesh=mesh,
        scratch_types=[
            pltpu.VMEM((16, _W), jnp.float32),
            pltpu.VMEM((4, _W), jnp.float32),
            pltpu.VMEM((2 * (_MAXB - 1), _W), jnp.float32),
            pltpu.VMEM((2, _W), jnp.float32),
            pltpu.VMEM((16,), jnp.int32),
            pltpu.VMEM((4,), jnp.int32),
            pltpu.VMEM((2 * (_MAXB - 1),), jnp.int32),
            pltpu.VMEM((2,), jnp.int32),
            pltpu.SemaphoreType.DMA,
            pltpu.SemaphoreType.DMA,
            pltpu.SemaphoreType.DMA,
            pltpu.SemaphoreType.DMA,
        ],
    )
    def _horiz(frame_ref, idx_r_hbm, idx_w_hbm,
               bufab, bufc, obuf1, obuf2, idxr16, idxrc,
               idxw1, idxw2, sem_i, sem_ga, sem_gc, sem_s):
        wid = lax.axis_index("s") * _NCORES + lax.axis_index("c")

        e = lax.iota(jnp.int32, 16)
        start = 4 * wid + jnp.minimum(wid, _EXTRA)
        idxr16[...] = 8 * start + 6 + 8 * (e >> 2) + (e & 3)
        ga = pltpu.async_copy(frame_ref.at[idxr16], bufab, sem_ga)

        c3 = pltpu.async_copy(
            idx_r_hbm.at[pl.ds(wid * _RSLOT + 16, 4)], idxrc, sem_i)
        c4 = pltpu.async_copy(
            idx_w_hbm.at[pl.ds(wid * _WSLOT, 2 * (_MAXB - 1))], idxw1, sem_i)
        c5 = pltpu.async_copy(
            idx_w_hbm.at[pl.ds(wid * _WSLOT + 2 * (_MAXB - 1), 2)], idxw2,
            sem_i)
        c3.wait(); c4.wait(); c5.wait()
        gc = pltpu.async_copy(frame_ref.at[idxrc], bufc, sem_gc)

        def filt(p1, p0, q0, q1):
            cond = (
                (jnp.abs(p0 - q0) < _ALPHA)
                & (jnp.abs(p1 - p0) < _BETA)
                & (jnp.abs(q1 - q0) < _BETA)
            )
            p0n = jnp.where(cond, (2.0 * p1 + p0 + q0 + 2.0) * 0.25, p0)
            q0n = jnp.where(cond, (2.0 * q1 + q0 + p0 + 2.0) * 0.25, q0)
            return p0n, q0n

        ga.wait()

        @plsc.parallel_loop(0, _W // _LANES, unroll=2)
        def _(k):
            sl = pl.ds(k * _LANES, _LANES)
            for j in range(4):
                p0n, q0n = filt(bufab[4 * j + 0, sl], bufab[4 * j + 1, sl],
                                bufab[4 * j + 2, sl], bufab[4 * j + 3, sl])
                obuf1[2 * j + 0, sl] = p0n
                obuf1[2 * j + 1, sl] = q0n

        gc.wait()
        s1 = pltpu.async_copy(obuf1, frame_ref.at[idxw1], sem_s)

        @plsc.parallel_loop(0, _W // _LANES, unroll=2)
        def _(k):
            sl = pl.ds(k * _LANES, _LANES)
            p0n, q0n = filt(bufc[0, sl], bufc[1, sl],
                            bufc[2, sl], bufc[3, sl])
            obuf2[0, sl] = p0n
            obuf2[1, sl] = q0n

        s2 = pltpu.async_copy(obuf2, frame_ref.at[idxw2], sem_s)
        s1.wait(); s2.wait()

    return _horiz


def kernel(frame):
    v = _vertical(frame)
    ref = jax.new_ref(v)
    _build_horiz()(ref, jnp.asarray(_IDX_R), jnp.asarray(_IDX_W))
    return jax.freeze(ref)

# --- scband reference (transcript-rebuilt; emitter-appended) ---
"""Pipeline reference for scband-model-24232205484603 (READ-ONLY COPY).

The authoritative reference and input builder live on the scoring server;
editing this copy changes nothing except your own understanding.
"""

import jax, jax.numpy as jnp
import numpy as np

BS = 8
ALPHA = 0.1
BETA = 0.05
H, W = 1080, 1920


def setup_inputs(seed: int = 0) -> dict:
    key = jax.random.key(seed)
    frame = jax.random.uniform(key, (H, W), dtype=jnp.float32)
    return {"frame": frame}


def _deblock(frame):
    h, w = frame.shape
    bs, alpha, beta = BS, ALPHA, BETA
    # --- vertical block boundaries (filter across columns) ---
    # boundaries at x = bs, 2*bs, ... (< w-1). Since bs >= 2, x-2 >= 0 and x+1 <= w-1.
    xs = np.arange(bs, w - 1, bs)
    p1 = frame[:, xs - 2]
    p0 = frame[:, xs - 1]
    q0 = frame[:, xs]
    q1 = frame[:, xs + 1]
    cond = (jnp.abs(p0 - q0) < alpha) & (jnp.abs(p1 - p0) < beta) & (jnp.abs(q1 - q0) < beta)
    p0_new = (2.0 * p1 + p0 + q0 + 2.0) / 4.0
    q0_new = (2.0 * q1 + q0 + p0 + 2.0) / 4.0
    out = frame.at[:, xs - 1].set(jnp.where(cond, p0_new, p0))
    out = out.at[:, xs].set(jnp.where(cond, q0_new, q0))
    # --- horizontal block boundaries (filter across rows), reading post-vertical frame ---
    ys = np.arange(bs, h - 1, bs)
    hp1 = out[ys - 2, :]
    hp0 = out[ys - 1, :]
    hq0 = out[ys, :]
    hq1 = out[ys + 1, :]
    hcond = (jnp.abs(hp0 - hq0) < alpha) & (jnp.abs(hp1 - hp0) < beta) & (jnp.abs(hq1 - hq0) < beta)
    hp0_new = (2.0 * hp1 + hp0 + hq0 + 2.0) / 4.0
    hq0_new = (2.0 * hq1 + hq0 + hp0 + 2.0) / 4.0
    out = out.at[ys - 1, :].set(jnp.where(hcond, hp0_new, hp0))
    out = out.at[ys, :].set(jnp.where(hcond, hq0_new, hq0))
    return out


def reference(frame):
    return _deblock(frame)

if __name__ == "__main__":
    import jax
    _d = setup_inputs()
    print(jax.jit(kernel)(*tuple(_d.values())))

</pallas_src>

<mosaic_0001>
#map = affine_map<(d0, d1) -> (0, 0)>
#map1 = affine_map<(d0, d1) -> (0)>
module attributes {stable_mosaic.version = 14 : i64} {
  func.func @new_body(%arg0: i32, %arg1: i32, %arg2: memref<1080x1920xf32, #tpu.memory_space<hbm>>, %arg3: memref<768xi32, #tpu.memory_space<hbm>>, %arg4: memref<512xi32, #tpu.memory_space<hbm>>, %arg5: memref<1080x1920xf32, #tpu.memory_space<hbm>>, %arg6: memref<16x1920xf32, #tpu.memory_space<vmem>>, %arg7: memref<4x1920xf32, #tpu.memory_space<vmem>>, %arg8: memref<8x1920xf32, #tpu.memory_space<vmem>>, %arg9: memref<2x1920xf32, #tpu.memory_space<vmem>>, %arg10: memref<16xi32, #tpu.memory_space<vmem>>, %arg11: memref<4xi32, #tpu.memory_space<vmem>>, %arg12: memref<8xi32, #tpu.memory_space<vmem>>, %arg13: memref<2xi32, #tpu.memory_space<vmem>>, %arg14: memref<!tpu.dma_semaphore, #tpu.memory_space<semaphore_mem>>, %arg15: memref<!tpu.dma_semaphore, #tpu.memory_space<semaphore_mem>>, %arg16: memref<!tpu.dma_semaphore, #tpu.memory_space<semaphore_mem>>, %arg17: memref<!tpu.dma_semaphore, #tpu.memory_space<semaphore_mem>>) attributes {dimension_semantics = [#tpu.dimension_semantics<core_parallel>, #tpu.dimension_semantics<subcore_parallel>], iteration_bounds = array<i64: 2, 16>, scalar_prefetch = 0 : i64, scratch_operands = 12 : i64, tpu.core_type = #tpu.core_type<sc_vector_subcore>, window_params = [{transform_indices = #map}, {transform_indices = #map1}, {transform_indices = #map1}, {transform_indices = #map}]} {
    %mul3A = arith.constant 2 : i32
    %mul3A_0 = arith.muli %arg1, %mul3A : i32
    %add3A = arith.addi %mul3A_0, %arg0 : i32
    %iota3A = tpu.iota {dimensions = array<i32: 0>} : vector<16xi32>
    %mul3A_1 = arith.constant 4 : i32
    %mul3A_2 = arith.muli %mul3A_1, %add3A : i32
    %min3A = arith.constant 6 : i32
    %min3A_3 = arith.minsi %add3A, %min3A : i32
    %add3A_4 = arith.addi %mul3A_2, %min3A_3 : i32
    %mul3A_5 = arith.constant 8 : i32
    %mul3A_6 = arith.muli %mul3A_5, %add3A_4 : i32
    %add3A_7 = arith.constant 6 : i32
    %add3A_8 = arith.addi %mul3A_6, %add3A_7 : i32
    %shift_right_arithmetic3A = arith.constant 2 : i32
    %shift_right_arithmetic3A_9 = vector.broadcast %shift_right_arithmetic3A : i32 to vector<16xi32>
    %shift_right_arithmetic3A_10 = arith.shrsi %iota3A, %shift_right_arithmetic3A_9 : vector<16xi32>
    %mul3A_11 = arith.constant 8 : i32
    %mul3A_12 = vector.broadcast %mul3A_11 : i32 to vector<16xi32>
    %mul3A_13 = arith.muli %mul3A_12, %shift_right_arithmetic3A_10 : vector<16xi32>
    %add3A_14 = vector.broadcast %add3A_8 : i32 to vector<16xi32>
    %add3A_15 = arith.addi %add3A_14, %mul3A_13 : vector<16xi32>
    %and3A = arith.constant 3 : i32
    %and3A_16 = vector.broadcast %and3A : i32 to vector<16xi32>
    %and3A_17 = arith.andi %iota3A, %and3A_16 : vector<16xi32>
    %add3A_18 = arith.addi %add3A_15, %and3A_17 : vector<16xi32>
    %swap3A = arith.constant 0 : index
    %swap3A_19 = tpu.vector_load %arg10[%swap3A] {strides = array<i32>} : memref<16xi32, #tpu.memory_space<vmem>>, vector<16xi32>,
    %swap3A_20 = vector.shape_cast %swap3A_19 : vector<16xi32> to vector<16xi32>
    %swap3A_21 = vector.shape_cast %add3A_18 : vector<16xi32> to vector<16xi32>
    tpu.vector_store %arg10[%swap3A], %swap3A_21 {strides = array<i32>} : memref<16xi32, #tpu.memory_space<vmem>>, vector<16xi32>,
    %dma_start3A = arith.constant 0 : i32
    %dma_start3A_22 = arith.constant 0 : i32
    %dma_start3A_23 = tpu.memref_slice %arg2[%dma_start3A, %dma_start3A_22] : memref<1080x1920xf32, #tpu.memory_space<hbm>> -> memref<1080x1920xf32, #tpu.memory_space<hbm>>
    tpu.enqueue_indirect_dma source(%dma_start3A_23 : memref<1080x1920xf32, #tpu.memory_space<hbm>>) target(%arg6 : memref<16x1920xf32, #tpu.memory_space<vmem>>) offsets(%arg10 : memref<16xi32, #tpu.memory_space<vmem>>) semaphore(%arg15 : memref<!tpu.dma_semaphore, #tpu.memory_space<semaphore_mem>>)
    %mul3A_24 = arith.constant 24 : i32
    %mul3A_25 = arith.muli %add3A, %mul3A_24 : i32
    %add3A_26 = arith.constant 16 : i32
    %add3A_27 = arith.addi %mul3A_25, %add3A_26 : i32
    %dma_start3A_28 = tpu.memref_slice %arg3[%add3A_27] : memref<768xi32, #tpu.memory_space<hbm>> -> memref<4xi32, #tpu.memory_space<hbm>>
    %dma_start3A_29 = tpu.memref_slice %arg3[%add3A_27] : memref<768xi32, #tpu.memory_space<hbm>> -> memref<4xi32, #tpu.memory_space<hbm>>
    tpu.enqueue_dma source(%dma_start3A_29 : memref<4xi32, #tpu.memory_space<hbm>>) target(%arg11 : memref<4xi32, #tpu.memory_space<vmem>>) target_semaphore(%arg14 : memref<!tpu.dma_semaphore, #tpu.memory_space<semaphore_mem>>)
    %mul3A_30 = arith.constant 16 : i32
    %mul3A_31 = arith.muli %add3A, %mul3A_30 : i32
    %dma_start3A_32 = tpu.memref_slice %arg4[%mul3A_31] : memref<512xi32, #tpu.memory_space<hbm>> -> memref<8xi32, #tpu.memory_space<hbm>>
    %dma_start3A_33 = tpu.memref_slice %arg4[%mul3A_31] : memref<512xi32, #tpu.memory_space<hbm>> -> memref<8xi32, #tpu.memory_space<hbm>>
    tpu.enqueue_dma source(%dma_start3A_33 : memref<8xi32, #tpu.memory_space<hbm>>) target(%arg12 : memref<8xi32, #tpu.memory_space<vmem>>) target_semaphore(%arg14 : memref<!tpu.dma_semaphore, #tpu.memory_space<semaphore_mem>>)
    %mul3A_34 = arith.constant 16 : i32
    %mul3A_35 = arith.muli %add3A, %mul3A_34 : i32
    %add3A_36 = arith.constant 8 : i32
    %add3A_37 = arith.addi %mul3A_35, %add3A_36 : i32
    %dma_start3A_38 = tpu.memref_slice %arg4[%add3A_37] : memref<512xi32, #tpu.memory_space<hbm>> -> memref<2xi32, #tpu.memory_space<hbm>>
    %dma_start3A_39 = tpu.memref_slice %arg4[%add3A_37] : memref<512xi32, #tpu.memory_space<hbm>> -> memref<2xi32, #tpu.memory_space<hbm>>
    tpu.enqueue_dma source(%dma_start3A_39 : memref<2xi32, #tpu.memory_space<hbm>>) target(%arg13 : memref<2xi32, #tpu.memory_space<vmem>>) target_semaphore(%arg14 : memref<!tpu.dma_semaphore, #tpu.memory_space<semaphore_mem>>)
    %dma_wait3A = tpu.memref_slice %arg3[%add3A_27] : memref<768xi32, #tpu.memory_space<hbm>> -> memref<4xi32, #tpu.memory_space<hbm>>
    %dma_wait3A_40 = tpu.memref_slice %arg3[%add3A_27] : memref<768xi32, #tpu.memory_space<hbm>> -> memref<4xi32, #tpu.memory_space<hbm>>
    tpu.wait_dma2 semaphore(%arg14 : memref<!tpu.dma_semaphore, #tpu.memory_space<semaphore_mem>>) src(%dma_wait3A_40 : memref<4xi32, #tpu.memory_space<hbm>>) dst(%arg11 : memref<4xi32, #tpu.memory_space<vmem>>)
    %dma_wait3A_41 = tpu.memref_slice %arg4[%mul3A_31] : memref<512xi32, #tpu.memory_space<hbm>> -> memref<8xi32, #tpu.memory_space<hbm>>
    %dma_wait3A_42 = tpu.memref_slice %arg4[%mul3A_31] : memref<512xi32, #tpu.memory_space<hbm>> -> memref<8xi32, #tpu.memory_space<hbm>>
    tpu.wait_dma2 semaphore(%arg14 : memref<!tpu.dma_semaphore, #tpu.memory_space<semaphore_mem>>) src(%dma_wait3A_42 : memref<8xi32, #tpu.memory_space<hbm>>) dst(%arg12 : memref<8xi32, #tpu.memory_space<vmem>>)
    %dma_wait3A_43 = tpu.memref_slice %arg4[%add3A_37] : memref<512xi32, #tpu.memory_space<hbm>> -> memref<2xi32, #tpu.memory_space<hbm>>
    %dma_wait3A_44 = tpu.memref_slice %arg4[%add3A_37] : memref<512xi32, #tpu.memory_space<hbm>> -> memref<2xi32, #tpu.memory_space<hbm>>
    tpu.wait_dma2 semaphore(%arg14 : memref<!tpu.dma_semaphore, #tpu.memory_space<semaphore_mem>>) src(%dma_wait3A_44 : memref<2xi32, #tpu.memory_space<hbm>>) dst(%arg13 : memref<2xi32, #tpu.memory_space<vmem>>)
    %dma_start3A_45 = arith.constant 0 : i32
    %dma_start3A_46 = arith.constant 0 : i32
    %dma_start3A_47 = tpu.memref_slice %arg2[%dma_start3A_45, %dma_start3A_46] : memref<1080x1920xf32, #tpu.memory_space<hbm>> -> memref<1080x1920xf32, #tpu.memory_space<hbm>>
    tpu.enqueue_indirect_dma source(%dma_start3A_47 : memref<1080x1920xf32, #tpu.memory_space<hbm>>) target(%arg7 : memref<4x1920xf32, #tpu.memory_space<vmem>>) offsets(%arg11 : memref<4xi32, #tpu.memory_space<vmem>>) semaphore(%arg16 : memref<!tpu.dma_semaphore, #tpu.memory_space<semaphore_mem>>)
    %dma_wait3A_48 = arith.constant 0 : i32
    %dma_wait3A_49 = arith.constant 0 : i32
    %dma_wait3A_50 = tpu.memref_slice %arg2[%dma_wait3A_48, %dma_wait3A_49] : memref<1080x1920xf32, #tpu.memory_space<hbm>> -> memref<1080x1920xf32, #tpu.memory_space<hbm>>
    tpu.wait_indirect_dma semaphore(%arg15 : memref<!tpu.dma_semaphore, #tpu.memory_space<semaphore_mem>>) src(%dma_wait3A_50 : memref<1080x1920xf32, #tpu.memory_space<hbm>>) dst(%arg6 : memref<16x1920xf32, #tpu.memory_space<vmem>>)
    %parallel_loop3A = arith.constant 0 : i32
    %parallel_loop3A_51 = arith.constant 120 : i32
    %parallel_loop3A_52 = arith.constant 1 : i32
    scf.for %parallel_loop3A_71 = %parallel_loop3A to %parallel_loop3A_51 step %parallel_loop3A_52  : i32 {
      %parallel_loop3A_72 = arith.constant 16 : i32
      %parallel_loop3A_73 = arith.muli %parallel_loop3A_71, %parallel_loop3A_72 : i32
      %parallel_loop3A_74 = arith.constant 0 : i32
      %parallel_loop3A_75 = arith.index_cast %parallel_loop3A_74 : i32 to index
      %parallel_loop3A_76 = arith.index_cast %parallel_loop3A_73 : i32 to index
      %parallel_loop3A_77 = tpu.vector_load %arg6[%parallel_loop3A_75, %parallel_loop3A_76] {strides = array<i32>} : memref<16x1920xf32, #tpu.memory_space<vmem>>, vector<1x16xf32>,
      %parallel_loop3A_78 = vector.shape_cast %parallel_loop3A_77 : vector<1x16xf32> to vector<16xf32>
      %parallel_loop3A_79 = arith.constant 1 : i32
      %parallel_loop3A_80 = arith.index_cast %parallel_loop3A_79 : i32 to index
      %parallel_loop3A_81 = arith.index_cast %parallel_loop3A_73 : i32 to index
      %parallel_loop3A_82 = tpu.vector_load %arg6[%parallel_loop3A_80, %parallel_loop3A_81] {strides = array<i32>} : memref<16x1920xf32, #tpu.memory_space<vmem>>, vector<1x16xf32>,
      %parallel_loop3A_83 = vector.shape_cast %parallel_loop3A_82 : vector<1x16xf32> to vector<16xf32>
      %parallel_loop3A_84 = arith.constant 2 : i32
      %parallel_loop3A_85 = arith.index_cast %parallel_loop3A_84 : i32 to index
      %parallel_loop3A_86 = arith.index_cast %parallel_loop3A_73 : i32 to index
      %parallel_loop3A_87 = tpu.vector_load %arg6[%parallel_loop3A_85, %parallel_loop3A_86] {strides = array<i32>} : memref<16x1920xf32, #tpu.memory_space<vmem>>, vector<1x16xf32>,
      %parallel_loop3A_88 = vector.shape_cast %parallel_loop3A_87 : vector<1x16xf32> to vector<16xf32>
      %parallel_loop3A_89 = arith.constant 3 : i32
      %parallel_loop3A_90 = arith.index_cast %parallel_loop3A_89 : i32 to index
      %parallel_loop3A_91 = arith.index_cast %parallel_loop3A_73 : i32 to index
      %parallel_loop3A_92 = tpu.vector_load %arg6[%parallel_loop3A_90, %parallel_loop3A_91] {strides = array<i32>} : memref<16x1920xf32, #tpu.memory_space<vmem>>, vector<1x16xf32>,
      %parallel_loop3A_93 = vector.shape_cast %parallel_loop3A_92 : vector<1x16xf32> to vector<16xf32>
      %parallel_loop3A_94 = arith.subf %parallel_loop3A_83, %parallel_loop3A_88 : vector<16xf32>
      %parallel_loop3A_95 = math.absf %parallel_loop3A_94 : vector<16xf32>
      %parallel_loop3A_96 = arith.constant 1.000000e-01 : f32
      %parallel_loop3A_97 = vector.broadcast %parallel_loop3A_96 : f32 to vector<16xf32>
      %parallel_loop3A_98 = arith.cmpf olt, %parallel_loop3A_95, %parallel_loop3A_97 : vector<16xf32>
      %parallel_loop3A_99 = arith.subf %parallel_loop3A_78, %parallel_loop3A_83 : vector<16xf32>
      %parallel_loop3A_100 = math.absf %parallel_loop3A_99 : vector<16xf32>
      %parallel_loop3A_101 = arith.constant 5.000000e-02 : f32
      %parallel_loop3A_102 = vector.broadcast %parallel_loop3A_101 : f32 to vector<16xf32>
      %parallel_loop3A_103 = arith.cmpf olt, %parallel_loop3A_100, %parallel_loop3A_102 : vector<16xf32>
      %parallel_loop3A_104 = arith.andi %parallel_loop3A_98, %parallel_loop3A_103 : vector<16xi1>
      %parallel_loop3A_105 = arith.subf %parallel_loop3A_93, %parallel_loop3A_88 : vector<16xf32>
      %parallel_loop3A_106 = math.absf %parallel_loop3A_105 : vector<16xf32>
      %parallel_loop3A_107 = arith.constant 5.000000e-02 : f32
      %parallel_loop3A_108 = vector.broadcast %parallel_loop3A_107 : f32 to vector<16xf32>
      %parallel_loop3A_109 = arith.cmpf olt, %parallel_loop3A_106, %parallel_loop3A_108 : vector<16xf32>
      %parallel_loop3A_110 = arith.andi %parallel_loop3A_104, %parallel_loop3A_109 : vector<16xi1>
      %parallel_loop3A_111 = arith.constant 2.000000e+00 : f32
      %parallel_loop3A_112 = vector.broadcast %parallel_loop3A_111 : f32 to vector<16xf32>
      %parallel_loop3A_113 = arith.mulf %parallel_loop3A_112, %parallel_loop3A_78 : vector<16xf32>
      %parallel_loop3A_114 = arith.addf %parallel_loop3A_113, %parallel_loop3A_83 : vector<16xf32>
      %parallel_loop3A_115 = arith.addf %parallel_loop3A_114, %parallel_loop3A_88 : vector<16xf32>
      %parallel_loop3A_116 = arith.constant 2.000000e+00 : f32
      %parallel_loop3A_117 = vector.broadcast %parallel_loop3A_116 : f32 to vector<16xf32>
      %parallel_loop3A_118 = arith.addf %parallel_loop3A_115, %parallel_loop3A_117 : vector<16xf32>
      %parallel_loop3A_119 = arith.constant 2.500000e-01 : f32
      %parallel_loop3A_120 = vector.broadcast %parallel_loop3A_119 : f32 to vector<16xf32>
      %parallel_loop3A_121 = arith.mulf %parallel_loop3A_118, %parallel_loop3A_120 : vector<16xf32>
      %parallel_loop3A_122 = arith.select %parallel_loop3A_110, %parallel_loop3A_121, %parallel_loop3A_83 : vector<16xi1>, vector<16xf32>
      %parallel_loop3A_123 = arith.constant 2.000000e+00 : f32
      %parallel_loop3A_124 = vector.broadcast %parallel_loop3A_123 : f32 to vector<16xf32>
      %parallel_loop3A_125 = arith.mulf %parallel_loop3A_124, %parallel_loop3A_93 : vector<16xf32>
      %parallel_loop3A_126 = arith.addf %parallel_loop3A_125, %parallel_loop3A_88 : vector<16xf32>
      %parallel_loop3A_127 = arith.addf %parallel_loop3A_126, %parallel_loop3A_83 : vector<16xf32>
      %parallel_loop3A_128 = arith.constant 2.000000e+00 : f32
      %parallel_loop3A_129 = vector.broadcast %parallel_loop3A_128 : f32 to vector<16xf32>
      %parallel_loop3A_130 = arith.addf %parallel_loop3A_127, %parallel_loop3A_129 : vector<16xf32>
      %parallel_loop3A_131 = arith.constant 2.500000e-01 : f32
      %parallel_loop3A_132 = vector.broadcast %parallel_loop3A_131 : f32 to vector<16xf32>
      %parallel_loop3A_133 = arith.mulf %parallel_loop3A_130, %parallel_loop3A_132 : vector<16xf32>
      %parallel_loop3A_134 = arith.select %parallel_loop3A_110, %parallel_loop3A_133, %parallel_loop3A_88 : vector<16xi1>, vector<16xf32>
      %parallel_loop3A_135 = arith.constant 0 : i32
      %parallel_loop3A_136 = arith.index_cast %parallel_loop3A_135 : i32 to index
      %parallel_loop3A_137 = arith.index_cast %parallel_loop3A_73 : i32 to index
      %parallel_loop3A_138 = tpu.vector_load %arg8[%parallel_loop3A_136, %parallel_loop3A_137] {strides = array<i32>} : memref<8x1920xf32, #tpu.memory_space<vmem>>, vector<1x16xf32>,
      %parallel_loop3A_139 = vector.shape_cast %parallel_loop3A_138 : vector<1x16xf32> to vector<16xf32>
      %parallel_loop3A_140 = vector.shape_cast %parallel_loop3A_122 : vector<16xf32> to vector<1x16xf32>
      tpu.vector_store %arg8[%parallel_loop3A_136, %parallel_loop3A_137], %parallel_loop3A_140 {strides = array<i32>} : memref<8x1920xf32, #tpu.memory_space<vmem>>, vector<1x16xf32>,
      %parallel_loop3A_141 = arith.constant 1 : i32
      %parallel_loop3A_142 = arith.index_cast %parallel_loop3A_141 : i32 to index
      %parallel_loop3A_143 = arith.index_cast %parallel_loop3A_73 : i32 to index
      %parallel_loop3A_144 = tpu.vector_load %arg8[%parallel_loop3A_142, %parallel_loop3A_143] {strides = array<i32>} : memref<8x1920xf32, #tpu.memory_space<vmem>>, vector<1x16xf32>,
      %parallel_loop3A_145 = vector.shape_cast %parallel_loop3A_144 : vector<1x16xf32> to vector<16xf32>
      %parallel_loop3A_146 = vector.shape_cast %parallel_loop3A_134 : vector<16xf32> to vector<1x16xf32>
      tpu.vector_store %arg8[%parallel_loop3A_142, %parallel_loop3A_143], %parallel_loop3A_146 {strides = array<i32>} : memref<8x1920xf32, #tpu.memory_space<vmem>>, vector<1x16xf32>,
      %parallel_loop3A_147 = arith.constant 4 : i32
      %parallel_loop3A_148 = arith.index_cast %parallel_loop3A_147 : i32 to index
      %parallel_loop3A_149 = arith.index_cast %parallel_loop3A_73 : i32 to index
      %parallel_loop3A_150 = tpu.vector_load %arg6[%parallel_loop3A_148, %parallel_loop3A_149] {strides = array<i32>} : memref<16x1920xf32, #tpu.memory_space<vmem>>, vector<1x16xf32>,
      %parallel_loop3A_151 = vector.shape_cast %parallel_loop3A_150 : vector<1x16xf32> to vector<16xf32>
      %parallel_loop3A_152 = arith.constant 5 : i32
      %parallel_loop3A_153 = arith.index_cast %parallel_loop3A_152 : i32 to index
      %parallel_loop3A_154 = arith.index_cast %parallel_loop3A_73 : i32 to index
      %parallel_loop3A_155 = tpu.vector_load %arg6[%parallel_loop3A_153, %parallel_loop3A_154] {strides = array<i32>} : memref<16x1920xf32, #tpu.memory_space<vmem>>, vector<1x16xf32>,
      %parallel_loop3A_156 = vector.shape_cast %parallel_loop3A_155 : vector<1x16xf32> to vector<16xf32>
      %parallel_loop3A_157 = arith.constant 6 : i32
      %parallel_loop3A_158 = arith.index_cast %parallel_loop3A_157 : i32 to index
      %parallel_loop3A_159 = arith.index_cast %parallel_loop3A_73 : i32 to index
      %parallel_loop3A_160 = tpu.vector_load %arg6[%parallel_loop3A_158, %parallel_loop3A_159] {strides = array<i32>} : memref<16x1920xf32, #tpu.memory_space<vmem>>, vector<1x16xf32>,
      %parallel_loop3A_161 = vector.shape_cast %parallel_loop3A_160 : vector<1x16xf32> to vector<16xf32>
      %parallel_loop3A_162 = arith.constant 7 : i32
      %parallel_loop3A_163 = arith.index_cast %parallel_loop3A_162 : i32 to index
      %parallel_loop3A_164 = arith.index_cast %parallel_loop3A_73 : i32 to index
      %parallel_loop3A_165 = tpu.vector_load %arg6[%parallel_loop3A_163, %parallel_loop3A_164] {strides = array<i32>} : memref<16x1920xf32, #tpu.memory_space<vmem>>, vector<1x16xf32>,
      %parallel_loop3A_166 = vector.shape_cast %parallel_loop3A_165 : vector<1x16xf32> to vector<16xf32>
      %parallel_loop3A_167 = arith.subf %parallel_loop3A_156, %parallel_loop3A_161 : vector<16xf32>
      %parallel_loop3A_168 = math.absf %parallel_loop3A_167 : vector<16xf32>
      %parallel_loop3A_169 = arith.constant 1.000000e-01 : f32
      %parallel_loop3A_170 = vector.broadcast %parallel_loop3A_169 : f32 to vector<16xf32>
      %parallel_loop3A_171 = arith.cmpf olt, %parallel_loop3A_168, %parallel_loop3A_170 : vector<16xf32>
      %parallel_loop3A_172 = arith.subf %parallel_loop3A_151, %parallel_loop3A_156 : vector<16xf32>
      %parallel_loop3A_173 = math.absf %parallel_loop3A_172 : vector<16xf32>
      %parallel_loop3A_174 = arith.constant 5.000000e-02 : f32
      %parallel_loop3A_175 = vector.broadcast %parallel_loop3A_174 : f32 to vector<16xf32>
      %parallel_loop3A_176 = arith.cmpf olt, %parallel_loop3A_173, %parallel_loop3A_175 : vector<16xf32>
      %parallel_loop3A_177 = arith.andi %parallel_loop3A_171, %parallel_loop3A_176 : vector<16xi1>
      %parallel_loop3A_178 = arith.subf %parallel_loop3A_166, %parallel_loop3A_161 : vector<16xf32>
      %parallel_loop3A_179 = math.absf %parallel_loop3A_178 : vector<16xf32>
      %parallel_loop3A_180 = arith.constant 5.000000e-02 : f32
      %parallel_loop3A_181 = vector.broadcast %parallel_loop3A_180 : f32 to vector<16xf32>
      %parallel_loop3A_182 = arith.cmpf olt, %parallel_loop3A_179, %parallel_loop3A_181 : vector<16xf32>
      %parallel_loop3A_183 = arith.andi %parallel_loop3A_177, %parallel_loop3A_182 : vector<16xi1>
      %parallel_loop3A_184 = arith.constant 2.000000e+00 : f32
      %parallel_loop3A_185 = vector.broadcast %parallel_loop3A_184 : f32 to vector<16xf32>
      %parallel_loop3A_186 = arith.mulf %parallel_loop3A_185, %parallel_loop3A_151 : vector<16xf32>
      %parallel_loop3A_187 = arith.addf %parallel_loop3A_186, %parallel_loop3A_156 : vector<16xf32>
      %parallel_loop3A_188 = arith.addf %parallel_loop3A_187, %parallel_loop3A_161 : vector<16xf32>
      %parallel_loop3A_189 = arith.constant 2.000000e+00 : f32
      %parallel_loop3A_190 = vector.broadcast %parallel_loop3A_189 : f32 to vector<16xf32>
      %parallel_loop3A_191 = arith.addf %parallel_loop3A_188, %parallel_loop3A_190 : vector<16xf32>
      %parallel_loop3A_192 = arith.constant 2.500000e-01 : f32
      %parallel_loop3A_193 = vector.broadcast %parallel_loop3A_192 : f32 to vector<16xf32>
      %parallel_loop3A_194 = arith.mulf %parallel_loop3A_191, %parallel_loop3A_193 : vector<16xf32>
      %parallel_loop3A_195 = arith.select %parallel_loop3A_183, %parallel_loop3A_194, %parallel_loop3A_156 : vector<16xi1>, vector<16xf32>
      %parallel_loop3A_196 = arith.constant 2.000000e+00 : f32
      %parallel_loop3A_197 = vector.broadcast %parallel_loop3A_196 : f32 to vector<16xf32>
      %parallel_loop3A_198 = arith.mulf %parallel_loop3A_197, %parallel_loop3A_166 : vector<16xf32>
      %parallel_loop3A_199 = arith.addf %parallel_loop3A_198, %parallel_loop3A_161 : vector<16xf32>
      %parallel_loop3A_200 = arith.addf %parallel_loop3A_199, %parallel_loop3A_156 : vector<16xf32>
      %parallel_loop3A_201 = arith.constant 2.000000e+00 : f32
      %parallel_loop3A_202 = vector.broadcast %parallel_loop3A_201 : f32 to vector<16xf32>
      %parallel_loop3A_203 = arith.addf %parallel_loop3A_200, %parallel_loop3A_202 : vector<16xf32>
      %parallel_loop3A_204 = arith.constant 2.500000e-01 : f32
      %parallel_loop3A_205 = vector.broadcast %parallel_loop3A_204 : f32 to vector<16xf32>
      %parallel_loop3A_206 = arith.mulf %parallel_loop3A_203, %parallel_loop3A_205 : vector<16xf32>
      %parallel_loop3A_207 = arith.select %parallel_loop3A_183, %parallel_loop3A_206, %parallel_loop3A_161 : vector<16xi1>, vector<16xf32>
      %parallel_loop3A_208 = arith.constant 2 : i32
      %parallel_loop3A_209 = arith.index_cast %parallel_loop3A_208 : i32 to index
      %parallel_loop3A_210 = arith.index_cast %parallel_loop3A_73 : i32 to index
      %parallel_loop3A_211 = tpu.vector_load %arg8[%parallel_loop3A_209, %parallel_loop3A_210] {strides = array<i32>} : memref<8x1920xf32, #tpu.memory_space<vmem>>, vector<1x16xf32>,
      %parallel_loop3A_212 = vector.shape_cast %parallel_loop3A_211 : vector<1x16xf32> to vector<16xf32>
      %parallel_loop3A_213 = vector.shape_cast %parallel_loop3A_195 : vector<16xf32> to vector<1x16xf32>
      tpu.vector_store %arg8[%parallel_loop3A_209, %parallel_loop3A_210], %parallel_loop3A_213 {strides = array<i32>} : memref<8x1920xf32, #tpu.memory_space<vmem>>, vector<1x16xf32>,
      %parallel_loop3A_214 = arith.constant 3 : i32
      %parallel_loop3A_215 = arith.index_cast %parallel_loop3A_214 : i32 to index
      %parallel_loop3A_216 = arith.index_cast %parallel_loop3A_73 : i32 to index
      %parallel_loop3A_217 = tpu.vector_load %arg8[%parallel_loop3A_215, %parallel_loop3A_216] {strides = array<i32>} : memref<8x1920xf32, #tpu.memory_space<vmem>>, vector<1x16xf32>,
      %parallel_loop3A_218 = vector.shape_cast %parallel_loop3A_217 : vector<1x16xf32> to vector<16xf32>
      %parallel_loop3A_219 = vector.shape_cast %parallel_loop3A_207 : vector<16xf32> to vector<1x16xf32>
      tpu.vector_store %arg8[%parallel_loop3A_215, %parallel_loop3A_216], %parallel_loop3A_219 {strides = array<i32>} : memref<8x1920xf32, #tpu.memory_space<vmem>>, vector<1x16xf32>,
      %parallel_loop3A_220 = arith.constant 8 : i32
      %parallel_loop3A_221 = arith.index_cast %parallel_loop3A_220 : i32 to index
      %parallel_loop3A_222 = arith.index_cast %parallel_loop3A_73 : i32 to index
      %parallel_loop3A_223 = tpu.vector_load %arg6[%parallel_loop3A_221, %parallel_loop3A_222] {strides = array<i32>} : memref<16x1920xf32, #tpu.memory_space<vmem>>, vector<1x16xf32>,
      %parallel_loop3A_224 = vector.shape_cast %parallel_loop3A_223 : vector<1x16xf32> to vector<16xf32>
      %parallel_loop3A_225 = arith.constant 9 : i32
      %parallel_loop3A_226 = arith.index_cast %parallel_loop3A_225 : i32 to index
      %parallel_loop3A_227 = arith.index_cast %parallel_loop3A_73 : i32 to index
      %parallel_loop3A_228 = tpu.vector_load %arg6[%parallel_loop3A_226, %parallel_loop3A_227] {strides = array<i32>} : memref<16x1920xf32, #tpu.memory_space<vmem>>, vector<1x16xf32>,
      %parallel_loop3A_229 = vector.shape_cast %parallel_loop3A_228 : vector<1x16xf32> to vector<16xf32>
      %parallel_loop3A_230 = arith.constant 10 : i32
      %parallel_loop3A_231 = arith.index_cast %parallel_loop3A_230 : i32 to index
      %parallel_loop3A_232 = arith.index_cast %parallel_loop3A_73 : i32 to index
      %parallel_loop3A_233 = tpu.vector_load %arg6[%parallel_loop3A_231, %parallel_loop3A_232] {strides = array<i32>} : memref<16x1920xf32, #tpu.memory_space<vmem>>, vector<1x16xf32>,
      %parallel_loop3A_234 = vector.shape_cast %parallel_loop3A_233 : vector<1x16xf32> to vector<16xf32>
      %parallel_loop3A_235 = arith.constant 11 : i32
      %parallel_loop3A_236 = arith.index_cast %parallel_loop3A_235 : i32 to index
      %parallel_loop3A_237 = arith.index_cast %parallel_loop3A_73 : i32 to index
      %parallel_loop3A_238 = tpu.vector_load %arg6[%parallel_loop3A_236, %parallel_loop3A_237] {strides = array<i32>} : memref<16x1920xf32, #tpu.memory_space<vmem>>, vector<1x16xf32>,
      %parallel_loop3A_239 = vector.shape_cast %parallel_loop3A_238 : vector<1x16xf32> to vector<16xf32>
      %parallel_loop3A_240 = arith.subf %parallel_loop3A_229, %parallel_loop3A_234 : vector<16xf32>
      %parallel_loop3A_241 = math.absf %parallel_loop3A_240 : vector<16xf32>
      %parallel_loop3A_242 = arith.constant 1.000000e-01 : f32
      %parallel_loop3A_243 = vector.broadcast %parallel_loop3A_242 : f32 to vector<16xf32>
      %parallel_loop3A_244 = arith.cmpf olt, %parallel_loop3A_241, %parallel_loop3A_243 : vector<16xf32>
      %parallel_loop3A_245 = arith.subf %parallel_loop3A_224, %parallel_loop3A_229 : vector<16xf32>
      %parallel_loop3A_246 = math.absf %parallel_loop3A_245 : vector<16xf32>
      %parallel_loop3A_247 = arith.constant 5.000000e-02 : f32
      %parallel_loop3A_248 = vector.broadcast %parallel_loop3A_247 : f32 to vector<16xf32>
      %parallel_loop3A_249 = arith.cmpf olt, %parallel_loop3A_246, %parallel_loop3A_248 : vector<16xf32>
      %parallel_loop3A_250 = arith.andi %parallel_loop3A_244, %parallel_loop3A_249 : vector<16xi1>
      %parallel_loop3A_251 = arith.subf %parallel_loop3A_239, %parallel_loop3A_234 : vector<16xf32>
      %parallel_loop3A_252 = math.absf %parallel_loop3A_251 : vector<16xf32>
      %parallel_loop3A_253 = arith.constant 5.000000e-02 : f32
      %parallel_loop3A_254 = vector.broadcast %parallel_loop3A_253 : f32 to vector<16xf32>
      %parallel_loop3A_255 = arith.cmpf olt, %parallel_loop3A_252, %parallel_loop3A_254 : vector<16xf32>
      %parallel_loop3A_256 = arith.andi %parallel_loop3A_250, %parallel_loop3A_255 : vector<16xi1>
      %parallel_loop3A_257 = arith.constant 2.000000e+00 : f32
      %parallel_loop3A_258 = vector.broadcast %parallel_loop3A_257 : f32 to vector<16xf32>
      %parallel_loop3A_259 = arith.mulf %parallel_loop3A_258, %parallel_loop3A_224 : vector<16xf32>
      %parallel_loop3A_260 = arith.addf %parallel_loop3A_259, %parallel_loop3A_229 : vector<16xf32>
      %parallel_loop3A_261 = arith.addf %parallel_loop3A_260, %parallel_loop3A_234 : vector<16xf32>
      %parallel_loop3A_262 = arith.constant 2.000000e+00 : f32
      %parallel_loop3A_263 = vector.broadcast %parallel_loop3A_262 : f32 to vector<16xf32>
      %parallel_loop3A_264 = arith.addf %parallel_loop3A_261, %parallel_loop3A_263 : vector<16xf32>
      %parallel_loop3A_265 = arith.constant 2.500000e-01 : f32
      %parallel_loop3A_266 = vector.broadcast %parallel_loop3A_265 : f32 to vector<16xf32>
      %parallel_loop3A_267 = arith.mulf %parallel_loop3A_264, %parallel_loop3A_266 : vector<16xf32>
      %parallel_loop3A_268 = arith.select %parallel_loop3A_256, %parallel_loop3A_267, %parallel_loop3A_229 : vector<16xi1>, vector<16xf32>
      %parallel_loop3A_269 = arith.constant 2.000000e+00 : f32
      %parallel_loop3A_270 = vector.broadcast %parallel_loop3A_269 : f32 to vector<16xf32>
      %parallel_loop3A_271 = arith.mulf %parallel_loop3A_270, %parallel_loop3A_239 : vector<16xf32>
      %parallel_loop3A_272 = arith.addf %parallel_loop3A_271, %parallel_loop3A_234 : vector<16xf32>
      %parallel_loop3A_273 = arith.addf %parallel_loop3A_272, %parallel_loop3A_229 : vector<16xf32>
      %parallel_loop3A_274 = arith.constant 2.000000e+00 : f32
      %parallel_loop3A_275 = vector.broadcast %parallel_loop3A_274 : f32 to vector<16xf32>
      %parallel_loop3A_276 = arith.addf %parallel_loop3A_273, %parallel_loop3A_275 : vector<16xf32>
      %parallel_loop3A_277 = arith.constant 2.500000e-01 : f32
      %parallel_loop3A_278 = vector.broadcast %parallel_loop3A_277 : f32 to vector<16xf32>
      %parallel_loop3A_279 = arith.mulf %parallel_loop3A_276, %parallel_loop3A_278 : vector<16xf32>
      %parallel_loop3A_280 = arith.select %parallel_loop3A_256, %parallel_loop3A_279, %parallel_loop3A_234 : vector<16xi1>, vector<16xf32>
      %parallel_loop3A_281 = arith.constant 4 : i32
      %parallel_loop3A_282 = arith.index_cast %parallel_loop3A_281 : i32 to index
      %parallel_loop3A_283 = arith.index_cast %parallel_loop3A_73 : i32 to index
      %parallel_loop3A_284 = tpu.vector_load %arg8[%parallel_loop3A_282, %parallel_loop3A_283] {strides = array<i32>} : memref<8x1920xf32, #tpu.memory_space<vmem>>, vector<1x16xf32>,
      %parallel_loop3A_285 = vector.shape_cast %parallel_loop3A_284 : vector<1x16xf32> to vector<16xf32>
      %parallel_loop3A_286 = vector.shape_cast %parallel_loop3A_268 : vector<16xf32> to vector<1x16xf32>
      tpu.vector_store %arg8[%parallel_loop3A_282, %parallel_loop3A_283], %parallel_loop3A_286 {strides = array<i32>} : memref<8x1920xf32, #tpu.memory_space<vmem>>, vector<1x16xf32>,
      %parallel_loop3A_287 = arith.constant 5 : i32
      %parallel_loop3A_288 = arith.index_cast %parallel_loop3A_287 : i32 to index
      %parallel_loop3A_289 = arith.index_cast %parallel_loop3A_73 : i32 to index
      %parallel_loop3A_290 = tpu.vector_load %arg8[%parallel_loop3A_288, %parallel_loop3A_289] {strides = array<i32>} : memref<8x1920xf32, #tpu.memory_space<vmem>>, vector<1x16xf32>,
      %parallel_loop3A_291 = vector.shape_cast %parallel_loop3A_290 : vector<1x16xf32> to vector<16xf32>
      %parallel_loop3A_292 = vector.shape_cast %parallel_loop3A_280 : vector<16xf32> to vector<1x16xf32>
      tpu.vector_store %arg8[%parallel_loop3A_288, %parallel_loop3A_289], %parallel_loop3A_292 {strides = array<i32>} : memref<8x1920xf32, #tpu.memory_space<vmem>>, vector<1x16xf32>,
      %parallel_loop3A_293 = arith.constant 12 : i32
      %parallel_loop3A_294 = arith.index_cast %parallel_loop3A_293 : i32 to index
      %parallel_loop3A_295 = arith.index_cast %parallel_loop3A_73 : i32 to index
      %parallel_loop3A_296 = tpu.vector_load %arg6[%parallel_loop3A_294, %parallel_loop3A_295] {strides = array<i32>} : memref<16x1920xf32, #tpu.memory_space<vmem>>, vector<1x16xf32>,
      %parallel_loop3A_297 = vector.shape_cast %parallel_loop3A_296 : vector<1x16xf32> to vector<16xf32>
      %parallel_loop3A_298 = arith.constant 13 : i32
      %parallel_loop3A_299 = arith.index_cast %parallel_loop3A_298 : i32 to index
      %parallel_loop3A_300 = arith.index_cast %parallel_loop3A_73 : i32 to index
      %parallel_loop3A_301 = tpu.vector_load %arg6[%parallel_loop3A_299, %parallel_loop3A_300] {strides = array<i32>} : memref<16x1920xf32, #tpu.memory_space<vmem>>, vector<1x16xf32>,
      %parallel_loop3A_302 = vector.shape_cast %parallel_loop3A_301 : vector<1x16xf32> to vector<16xf32>
      %parallel_loop3A_303 = arith.constant 14 : i32
      %parallel_loop3A_304 = arith.index_cast %parallel_loop3A_303 : i32 to index
      %parallel_loop3A_305 = arith.index_cast %parallel_loop3A_73 : i32 to index
      %parallel_loop3A_306 = tpu.vector_load %arg6[%parallel_loop3A_304, %parallel_loop3A_305] {strides = array<i32>} : memref<16x1920xf32, #tpu.memory_space<vmem>>, vector<1x16xf32>,
      %parallel_loop3A_307 = vector.shape_cast %parallel_loop3A_306 : vector<1x16xf32> to vector<16xf32>
      %parallel_loop3A_308 = arith.constant 15 : i32
      %parallel_loop3A_309 = arith.index_cast %parallel_loop3A_308 : i32 to index
      %parallel_loop3A_310 = arith.index_cast %parallel_loop3A_73 : i32 to index
      %parallel_loop3A_311 = tpu.vector_load %arg6[%parallel_loop3A_309, %parallel_loop3A_310] {strides = array<i32>} : memref<16x1920xf32, #tpu.memory_space<vmem>>, vector<1x16xf32>,
      %parallel_loop3A_312 = vector.shape_cast %parallel_loop3A_311 : vector<1x16xf32> to vector<16xf32>
      %parallel_loop3A_313 = arith.subf %parallel_loop3A_302, %parallel_loop3A_307 : vector<16xf32>
      %parallel_loop3A_314 = math.absf %parallel_loop3A_313 : vector<16xf32>
      %parallel_loop3A_315 = arith.constant 1.000000e-01 : f32
      %parallel_loop3A_316 = vector.broadcast %parallel_loop3A_315 : f32 to vector<16xf32>
      %parallel_loop3A_317 = arith.cmpf olt, %parallel_loop3A_314, %parallel_loop3A_316 : vector<16xf32>
      %parallel_loop3A_318 = arith.subf %parallel_loop3A_297, %parallel_loop3A_302 : vector<16xf32>
      %parallel_loop3A_319 = math.absf %parallel_loop3A_318 : vector<16xf32>
      %parallel_loop3A_320 = arith.constant 5.000000e-02 : f32
      %parallel_loop3A_321 = vector.broadcast %parallel_loop3A_320 : f32 to vector<16xf32>
      %parallel_loop3A_322 = arith.cmpf olt, %parallel_loop3A_319, %parallel_loop3A_321 : vector<16xf32>
      %parallel_loop3A_323 = arith.andi %parallel_loop3A_317, %parallel_loop3A_322 : vector<16xi1>
      %parallel_loop3A_324 = arith.subf %parallel_loop3A_312, %parallel_loop3A_307 : vector<16xf32>
      %parallel_loop3A_325 = math.absf %parallel_loop3A_324 : vector<16xf32>
      %parallel_loop3A_326 = arith.constant 5.000000e-02 : f32
      %parallel_loop3A_327 = vector.broadcast %parallel_loop3A_326 : f32 to vector<16xf32>
      %parallel_loop3A_328 = arith.cmpf olt, %parallel_loop3A_325, %parallel_loop3A_327 : vector<16xf32>
      %parallel_loop3A_329 = arith.andi %parallel_loop3A_323, %parallel_loop3A_328 : vector<16xi1>
      %parallel_loop3A_330 = arith.constant 2.000000e+00 : f32
      %parallel_loop3A_331 = vector.broadcast %parallel_loop3A_330 : f32 to vector<16xf32>
      %parallel_loop3A_332 = arith.mulf %parallel_loop3A_331, %parallel_loop3A_297 : vector<16xf32>
      %parallel_loop3A_333 = arith.addf %parallel_loop3A_332, %parallel_loop3A_302 : vector<16xf32>
      %parallel_loop3A_334 = arith.addf %parallel_loop3A_333, %parallel_loop3A_307 : vector<16xf32>
      %parallel_loop3A_335 = arith.constant 2.000000e+00 : f32
      %parallel_loop3A_336 = vector.broadcast %parallel_loop3A_335 : f32 to vector<16xf32>
      %parallel_loop3A_337 = arith.addf %parallel_loop3A_334, %parallel_loop3A_336 : vector<16xf32>
      %parallel_loop3A_338 = arith.constant 2.500000e-01 : f32
      %parallel_loop3A_339 = vector.broadcast %parallel_loop3A_338 : f32 to vector<16xf32>
      %parallel_loop3A_340 = arith.mulf %parallel_loop3A_337, %parallel_loop3A_339 : vector<16xf32>
      %parallel_loop3A_341 = arith.select %parallel_loop3A_329, %parallel_loop3A_340, %parallel_loop3A_302 : vector<16xi1>, vector<16xf32>
      %parallel_loop3A_342 = arith.constant 2.000000e+00 : f32
      %parallel_loop3A_343 = vector.broadcast %parallel_loop3A_342 : f32 to vector<16xf32>
      %parallel_loop3A_344 = arith.mulf %parallel_loop3A_343, %parallel_loop3A_312 : vector<16xf32>
      %parallel_loop3A_345 = arith.addf %parallel_loop3A_344, %parallel_loop3A_307 : vector<16xf32>
      %parallel_loop3A_346 = arith.addf %parallel_loop3A_345, %parallel_loop3A_302 : vector<16xf32>
      %parallel_loop3A_347 = arith.constant 2.000000e+00 : f32
      %parallel_loop3A_348 = vector.broadcast %parallel_loop3A_347 : f32 to vector<16xf32>
      %parallel_loop3A_349 = arith.addf %parallel_loop3A_346, %parallel_loop3A_348 : vector<16xf32>
      %parallel_loop3A_350 = arith.constant 2.500000e-01 : f32
      %parallel_loop3A_351 = vector.broadcast %parallel_loop3A_350 : f32 to vector<16xf32>
      %parallel_loop3A_352 = arith.mulf %parallel_loop3A_349, %parallel_loop3A_351 : vector<16xf32>
      %parallel_loop3A_353 = arith.select %parallel_loop3A_329, %parallel_loop3A_352, %parallel_loop3A_307 : vector<16xi1>, vector<16xf32>
      %parallel_loop3A_354 = arith.constant 6 : i32
      %parallel_loop3A_355 = arith.index_cast %parallel_loop3A_354 : i32 to index
      %parallel_loop3A_356 = arith.index_cast %parallel_loop3A_73 : i32 to index
      %parallel_loop3A_357 = tpu.vector_load %arg8[%parallel_loop3A_355, %parallel_loop3A_356] {strides = array<i32>} : memref<8x1920xf32, #tpu.memory_space<vmem>>, vector<1x16xf32>,
      %parallel_loop3A_358 = vector.shape_cast %parallel_loop3A_357 : vector<1x16xf32> to vector<16xf32>
      %parallel_loop3A_359 = vector.shape_cast %parallel_loop3A_341 : vector<16xf32> to vector<1x16xf32>
      tpu.vector_store %arg8[%parallel_loop3A_355, %parallel_loop3A_356], %parallel_loop3A_359 {strides = array<i32>} : memref<8x1920xf32, #tpu.memory_space<vmem>>, vector<1x16xf32>,
      %parallel_loop3A_360 = arith.constant 7 : i32
      %parallel_loop3A_361 = arith.index_cast %parallel_loop3A_360 : i32 to index
      %parallel_loop3A_362 = arith.index_cast %parallel_loop3A_73 : i32 to index
      %parallel_loop3A_363 = tpu.vector_load %arg8[%parallel_loop3A_361, %parallel_loop3A_362] {strides = array<i32>} : memref<8x1920xf32, #tpu.memory_space<vmem>>, vector<1x16xf32>,
      %parallel_loop3A_364 = vector.shape_cast %parallel_loop3A_363 : vector<1x16xf32> to vector<16xf32>
      %parallel_loop3A_365 = vector.shape_cast %parallel_loop3A_353 : vector<16xf32> to vector<1x16xf32>
      tpu.vector_store %arg8[%parallel_loop3A_361, %parallel_loop3A_362], %parallel_loop3A_365 {strides = array<i32>} : memref<8x1920xf32, #tpu.memory_space<vmem>>, vector<1x16xf32>,
    } {sc.loop_unroll_factor = 2 : i64, sc.parallel_access}
    %dma_wait3A_53 = arith.constant 0 : i32
    %dma_wait3A_54 = arith.constant 0 : i32
    %dma_wait3A_55 = tpu.memref_slice %arg2[%dma_wait3A_53, %dma_wait3A_54] : memref<1080x1920xf32, #tpu.memory_space<hbm>> -> memref<1080x1920xf32, #tpu.memory_space<hbm>>
    tpu.wait_indirect_dma semaphore(%arg16 : memref<!tpu.dma_semaphore, #tpu.memory_space<semaphore_mem>>) src(%dma_wait3A_55 : memref<1080x1920xf32, #tpu.memory_space<hbm>>) dst(%arg7 : memref<4x1920xf32, #tpu.memory_space<vmem>>)
    %dma_start3A_56 = arith.constant 0 : i32
    %dma_start3A_57 = arith.constant 0 : i32
    %dma_start3A_58 = tpu.memref_slice %arg2[%dma_start3A_56, %dma_start3A_57] : memref<1080x1920xf32, #tpu.memory_space<hbm>> -> memref<1080x1920xf32, #tpu.memory_space<hbm>>
    tpu.enqueue_indirect_dma source(%arg8 : memref<8x1920xf32, #tpu.memory_space<vmem>>) target(%dma_start3A_58 : memref<1080x1920xf32, #tpu.memory_space<hbm>>) offsets(%arg12 : memref<8xi32, #tpu.memory_space<vmem>>) semaphore(%arg17 : memref<!tpu.dma_semaphore, #tpu.memory_space<semaphore_mem>>)
    %parallel_loop3A_59 = arith.constant 0 : i32
    %parallel_loop3A_60 = arith.constant 120 : i32
    %parallel_loop3A_61 = arith.constant 1 : i32
    scf.for %parallel_loop3A_71 = %parallel_loop3A_59 to %parallel_loop3A_60 step %parallel_loop3A_61  : i32 {
      %parallel_loop3A_72 = arith.constant 16 : i32
      %parallel_loop3A_73 = arith.muli %parallel_loop3A_71, %parallel_loop3A_72 : i32
      %parallel_loop3A_74 = arith.constant 0 : i32
      %parallel_loop3A_75 = arith.index_cast %parallel_loop3A_74 : i32 to index
      %parallel_loop3A_76 = arith.index_cast %parallel_loop3A_73 : i32 to index
      %parallel_loop3A_77 = tpu.vector_load %arg7[%parallel_loop3A_75, %parallel_loop3A_76] {strides = array<i32>} : memref<4x1920xf32, #tpu.memory_space<vmem>>, vector<1x16xf32>,
      %parallel_loop3A_78 = vector.shape_cast %parallel_loop3A_77 : vector<1x16xf32> to vector<16xf32>
      %parallel_loop3A_79 = arith.constant 1 : i32
      %parallel_loop3A_80 = arith.index_cast %parallel_loop3A_79 : i32 to index
      %parallel_loop3A_81 = arith.index_cast %parallel_loop3A_73 : i32 to index
      %parallel_loop3A_82 = tpu.vector_load %arg7[%parallel_loop3A_80, %parallel_loop3A_81] {strides = array<i32>} : memref<4x1920xf32, #tpu.memory_space<vmem>>, vector<1x16xf32>,
      %parallel_loop3A_83 = vector.shape_cast %parallel_loop3A_82 : vector<1x16xf32> to vector<16xf32>
      %parallel_loop3A_84 = arith.constant 2 : i32
      %parallel_loop3A_85 = arith.index_cast %parallel_loop3A_84 : i32 to index
      %parallel_loop3A_86 = arith.index_cast %parallel_loop3A_73 : i32 to index
      %parallel_loop3A_87 = tpu.vector_load %arg7[%parallel_loop3A_85, %parallel_loop3A_86] {strides = array<i32>} : memref<4x1920xf32, #tpu.memory_space<vmem>>, vector<1x16xf32>,
      %parallel_loop3A_88 = vector.shape_cast %parallel_loop3A_87 : vector<1x16xf32> to vector<16xf32>
      %parallel_loop3A_89 = arith.constant 3 : i32
      %parallel_loop3A_90 = arith.index_cast %parallel_loop3A_89 : i32 to index
      %parallel_loop3A_91 = arith.index_cast %parallel_loop3A_73 : i32 to index
      %parallel_loop3A_92 = tpu.vector_load %arg7[%parallel_loop3A_90, %parallel_loop3A_91] {strides = array<i32>} : memref<4x1920xf32, #tpu.memory_space<vmem>>, vector<1x16xf32>,
      %parallel_loop3A_93 = vector.shape_cast %parallel_loop3A_92 : vector<1x16xf32> to vector<16xf32>
      %parallel_loop3A_94 = arith.subf %parallel_loop3A_83, %parallel_loop3A_88 : vector<16xf32>
      %parallel_loop3A_95 = math.absf %parallel_loop3A_94 : vector<16xf32>
      %parallel_loop3A_96 = arith.constant 1.000000e-01 : f32
      %parallel_loop3A_97 = vector.broadcast %parallel_loop3A_96 : f32 to vector<16xf32>
      %parallel_loop3A_98 = arith.cmpf olt, %parallel_loop3A_95, %parallel_loop3A_97 : vector<16xf32>
      %parallel_loop3A_99 = arith.subf %parallel_loop3A_78, %parallel_loop3A_83 : vector<16xf32>
      %parallel_loop3A_100 = math.absf %parallel_loop3A_99 : vector<16xf32>
      %parallel_loop3A_101 = arith.constant 5.000000e-02 : f32
      %parallel_loop3A_102 = vector.broadcast %parallel_loop3A_101 : f32 to vector<16xf32>
      %parallel_loop3A_103 = arith.cmpf olt, %parallel_loop3A_100, %parallel_loop3A_102 : vector<16xf32>
      %parallel_loop3A_104 = arith.andi %parallel_loop3A_98, %parallel_loop3A_103 : vector<16xi1>
      %parallel_loop3A_105 = arith.subf %parallel_loop3A_93, %parallel_loop3A_88 : vector<16xf32>
      %parallel_loop3A_106 = math.absf %parallel_loop3A_105 : vector<16xf32>
      %parallel_loop3A_107 = arith.constant 5.000000e-02 : f32
      %parallel_loop3A_108 = vector.broadcast %parallel_loop3A_107 : f32 to vector<16xf32>
      %parallel_loop3A_109 = arith.cmpf olt, %parallel_loop3A_106, %parallel_loop3A_108 : vector<16xf32>
      %parallel_loop3A_110 = arith.andi %parallel_loop3A_104, %parallel_loop3A_109 : vector<16xi1>
      %parallel_loop3A_111 = arith.constant 2.000000e+00 : f32
      %parallel_loop3A_112 = vector.broadcast %parallel_loop3A_111 : f32 to vector<16xf32>
      %parallel_loop3A_113 = arith.mulf %parallel_loop3A_112, %parallel_loop3A_78 : vector<16xf32>
      %parallel_loop3A_114 = arith.addf %parallel_loop3A_113, %parallel_loop3A_83 : vector<16xf32>
      %parallel_loop3A_115 = arith.addf %parallel_loop3A_114, %parallel_loop3A_88 : vector<16xf32>
      %parallel_loop3A_116 = arith.constant 2.000000e+00 : f32
      %parallel_loop3A_117 = vector.broadcast %parallel_loop3A_116 : f32 to vector<16xf32>
      %parallel_loop3A_118 = arith.addf %parallel_loop3A_115, %parallel_loop3A_117 : vector<16xf32>
      %parallel_loop3A_119 = arith.constant 2.500000e-01 : f32
      %parallel_loop3A_120 = vector.broadcast %parallel_loop3A_119 : f32 to vector<16xf32>
      %parallel_loop3A_121 = arith.mulf %parallel_loop3A_118, %parallel_loop3A_120 : vector<16xf32>
      %parallel_loop3A_122 = arith.select %parallel_loop3A_110, %parallel_loop3A_121, %parallel_loop3A_83 : vector<16xi1>, vector<16xf32>
      %parallel_loop3A_123 = arith.constant 2.000000e+00 : f32
      %parallel_loop3A_124 = vector.broadcast %parallel_loop3A_123 : f32 to vector<16xf32>
      %parallel_loop3A_125 = arith.mulf %parallel_loop3A_124, %parallel_loop3A_93 : vector<16xf32>
      %parallel_loop3A_126 = arith.addf %parallel_loop3A_125, %parallel_loop3A_88 : vector<16xf32>
      %parallel_loop3A_127 = arith.addf %parallel_loop3A_126, %parallel_loop3A_83 : vector<16xf32>
      %parallel_loop3A_128 = arith.constant 2.000000e+00 : f32
      %parallel_loop3A_129 = vector.broadcast %parallel_loop3A_128 : f32 to vector<16xf32>
      %parallel_loop3A_130 = arith.addf %parallel_loop3A_127, %parallel_loop3A_129 : vector<16xf32>
      %parallel_loop3A_131 = arith.constant 2.500000e-01 : f32
      %parallel_loop3A_132 = vector.broadcast %parallel_loop3A_131 : f32 to vector<16xf32>
      %parallel_loop3A_133 = arith.mulf %parallel_loop3A_130, %parallel_loop3A_132 : vector<16xf32>
      %parallel_loop3A_134 = arith.select %parallel_loop3A_110, %parallel_loop3A_133, %parallel_loop3A_88 : vector<16xi1>, vector<16xf32>
      %parallel_loop3A_135 = arith.constant 0 : i32
      %parallel_loop3A_136 = arith.index_cast %parallel_loop3A_135 : i32 to index
      %parallel_loop3A_137 = arith.index_cast %parallel_loop3A_73 : i32 to index
      %parallel_loop3A_138 = tpu.vector_load %arg9[%parallel_loop3A_136, %parallel_loop3A_137] {strides = array<i32>} : memref<2x1920xf32, #tpu.memory_space<vmem>>, vector<1x16xf32>,
      %parallel_loop3A_139 = vector.shape_cast %parallel_loop3A_138 : vector<1x16xf32> to vector<16xf32>
      %parallel_loop3A_140 = vector.shape_cast %parallel_loop3A_122 : vector<16xf32> to vector<1x16xf32>
      tpu.vector_store %arg9[%parallel_loop3A_136, %parallel_loop3A_137], %parallel_loop3A_140 {strides = array<i32>} : memref<2x1920xf32, #tpu.memory_space<vmem>>, vector<1x16xf32>,
      %parallel_loop3A_141 = arith.constant 1 : i32
      %parallel_loop3A_142 = arith.index_cast %parallel_loop3A_141 : i32 to index
      %parallel_loop3A_143 = arith.index_cast %parallel_loop3A_73 : i32 to index
      %parallel_loop3A_144 = tpu.vector_load %arg9[%parallel_loop3A_142, %parallel_loop3A_143] {strides = array<i32>} : memref<2x1920xf32, #tpu.memory_space<vmem>>, vector<1x16xf32>,
      %parallel_loop3A_145 = vector.shape_cast %parallel_loop3A_144 : vector<1x16xf32> to vector<16xf32>
      %parallel_loop3A_146 = vector.shape_cast %parallel_loop3A_134 : vector<16xf32> to vector<1x16xf32>
      tpu.vector_store %arg9[%parallel_loop3A_142, %parallel_loop3A_143], %parallel_loop3A_146 {strides = array<i32>} : memref<2x1920xf32, #tpu.memory_space<vmem>>, vector<1x16xf32>,
    } {sc.loop_unroll_factor = 2 : i64, sc.parallel_access}
    %dma_start3A_62 = arith.constant 0 : i32
    %dma_start3A_63 = arith.constant 0 : i32
    %dma_start3A_64 = tpu.memref_slice %arg2[%dma_start3A_62, %dma_start3A_63] : memref<1080x1920xf32, #tpu.memory_space<hbm>> -> memref<1080x1920xf32, #tpu.memory_space<hbm>>
    tpu.enqueue_indirect_dma source(%arg9 : memref<2x1920xf32, #tpu.memory_space<vmem>>) target(%dma_start3A_64 : memref<1080x1920xf32, #tpu.memory_space<hbm>>) offsets(%arg13 : memref<2xi32, #tpu.memory_space<vmem>>) semaphore(%arg17 : memref<!tpu.dma_semaphore, #tpu.memory_space<semaphore_mem>>)
    %dma_wait3A_65 = arith.constant 0 : i32
    %dma_wait3A_66 = arith.constant 0 : i32
    %dma_wait3A_67 = tpu.memref_slice %arg2[%dma_wait3A_65, %dma_wait3A_66] : memref<1080x1920xf32, #tpu.memory_space<hbm>> -> memref<1080x1920xf32, #tpu.memory_space<hbm>>
    tpu.wait_indirect_dma semaphore(%arg17 : memref<!tpu.dma_semaphore, #tpu.memory_space<semaphore_mem>>) src(%arg8 : memref<8x1920xf32, #tpu.memory_space<vmem>>) dst(%dma_wait3A_67 : memref<1080x1920xf32, #tpu.memory_space<hbm>>)
    %dma_wait3A_68 = arith.constant 0 : i32
    %dma_wait3A_69 = arith.constant 0 : i32
    %dma_wait3A_70 = tpu.memref_slice %arg2[%dma_wait3A_68, %dma_wait3A_69] : memref<1080x1920xf32, #tpu.memory_space<hbm>> -> memref<1080x1920xf32, #tpu.memory_space<hbm>>
    tpu.wait_indirect_dma semaphore(%arg17 : memref<!tpu.dma_semaphore, #tpu.memory_space<semaphore_mem>>) src(%arg9 : memref<2x1920xf32, #tpu.memory_space<vmem>>) dst(%dma_wait3A_70 : memref<1080x1920xf32, #tpu.memory_space<hbm>>)
    return
  }
}

module attributes {stable_mosaic.version = 14 : i64} {
  func.func @_vert_body(%arg0: i32, %arg1: memref<120x1920xf32, #tpu.memory_space<vmem>>, %arg2: memref<120x1920xf32, #tpu.memory_space<vmem>>) attributes {dimension_semantics = [#tpu.dimension_semantics<parallel>], iteration_bounds = array<i64: 9>, scalar_prefetch = 0 : i64, scratch_operands = 0 : i64, tpu.core_type = #tpu.core_type<tc>, window_params = [{transform_indices = @transform_0, window_bounds = array<i64: 120, 1920>}, {transform_indices = @transform_1, window_bounds = array<i64: 120, 1920>}]} {
    %get3A = arith.constant 0 : index
    %get3A_0 = arith.constant 0 : index
    %get3A_1 = vector.load %arg1[%get3A, %get3A_0] : memref<120x1920xf32, #tpu.memory_space<vmem>>, vector<120x1920xf32>
    %iota3A = tpu.iota {dimensions = array<i32: 1>} : vector<120x1920xi32>
    %roll3A = arith.constant 1 : i32
    %roll3A_2 = tpu.dynamic_rotate %get3A_1 by %roll3A dim 1 : vector<120x1920xf32>, i32 -> vector<120x1920xf32>
    %roll3A_3 = arith.constant 2 : i32
    %roll3A_4 = tpu.dynamic_rotate %get3A_1 by %roll3A_3 dim 1 : vector<120x1920xf32>, i32 -> vector<120x1920xf32>
    %roll3A_5 = arith.constant 1919 : i32
    %roll3A_6 = tpu.dynamic_rotate %get3A_1 by %roll3A_5 dim 1 : vector<120x1920xf32>, i32 -> vector<120x1920xf32>
    %roll3A_7 = arith.constant 1918 : i32
    %roll3A_8 = tpu.dynamic_rotate %get3A_1 by %roll3A_7 dim 1 : vector<120x1920xf32>, i32 -> vector<120x1920xf32>
    %and3A = arith.constant 7 : i32
    %and3A_9 = vector.broadcast %and3A : i32 to vector<120x1920xi32>
    %and3A_10 = arith.andi %iota3A, %and3A_9 : vector<120x1920xi32>
    %eq3A = arith.constant 7 : i32
    %eq3A_11 = vector.broadcast %eq3A : i32 to vector<120x1920xi32>
    %eq3A_12 = arith.cmpi eq, %and3A_10, %eq3A_11 : vector<120x1920xi32>
    %lt3A = arith.constant 1912 : i32
    %lt3A_13 = vector.broadcast %lt3A : i32 to vector<120x1920xi32>
    %lt3A_14 = arith.cmpi slt, %iota3A, %lt3A_13 : vector<120x1920xi32>
    %and3A_15 = arith.andi %eq3A_12, %lt3A_14 : vector<120x1920xi1>
    %sub3A = arith.subf %get3A_1, %roll3A_6 : vector<120x1920xf32>
    %abs3A = math.absf %sub3A : vector<120x1920xf32>
    %lt3A_16 = arith.constant 1.000000e-01 : f32
    %lt3A_17 = vector.broadcast %lt3A_16 : f32 to vector<120x1920xf32>
    %lt3A_18 = arith.cmpf olt, %abs3A, %lt3A_17 : vector<120x1920xf32>
    %sub3A_19 = arith.subf %roll3A_2, %get3A_1 : vector<120x1920xf32>
    %abs3A_20 = math.absf %sub3A_19 : vector<120x1920xf32>
    %lt3A_21 = arith.constant 5.000000e-02 : f32
    %lt3A_22 = vector.broadcast %lt3A_21 : f32 to vector<120x1920xf32>
    %lt3A_23 = arith.cmpf olt, %abs3A_20, %lt3A_22 : vector<120x1920xf32>
    %and3A_24 = arith.andi %lt3A_18, %lt3A_23 : vector<120x1920xi1>
    %sub3A_25 = arith.subf %roll3A_8, %roll3A_6 : vector<120x1920xf32>
    %abs3A_26 = math.absf %sub3A_25 : vector<120x1920xf32>
    %lt3A_27 = arith.constant 5.000000e-02 : f32
    %lt3A_28 = vector.broadcast %lt3A_27 : f32 to vector<120x1920xf32>
    %lt3A_29 = arith.cmpf olt, %abs3A_26, %lt3A_28 : vector<120x1920xf32>
    %and3A_30 = arith.andi %and3A_24, %lt3A_29 : vector<120x1920xi1>
    %mul3A = arith.constant 2.000000e+00 : f32
    %mul3A_31 = vector.broadcast %mul3A : f32 to vector<120x1920xf32>
    %mul3A_32 = arith.mulf %mul3A_31, %roll3A_2 : vector<120x1920xf32>
    %add3A = arith.addf %mul3A_32, %get3A_1 : vector<120x1920xf32>
    %add3A_33 = arith.addf %add3A, %roll3A_6 : vector<120x1920xf32>
    %add3A_34 = arith.constant 2.000000e+00 : f32
    %add3A_35 = vector.broadcast %add3A_34 : f32 to vector<120x1920xf32>
    %add3A_36 = arith.addf %add3A_33, %add3A_35 : vector<120x1920xf32>
    %mul3A_37 = arith.constant 2.500000e-01 : f32
    %mul3A_38 = vector.broadcast %mul3A_37 : f32 to vector<120x1920xf32>
    %mul3A_39 = arith.mulf %add3A_36, %mul3A_38 : vector<120x1920xf32>
    %eq3A_40 = arith.constant 0 : i32
    %eq3A_41 = vector.broadcast %eq3A_40 : i32 to vector<120x1920xi32>
    %eq3A_42 = arith.cmpi eq, %and3A_10, %eq3A_41 : vector<120x1920xi32>
    %ge3A = arith.constant 8 : i32
    %ge3A_43 = vector.broadcast %ge3A : i32 to vector<120x1920xi32>
    %ge3A_44 = arith.cmpi sge, %iota3A, %ge3A_43 : vector<120x1920xi32>
    %and3A_45 = arith.andi %eq3A_42, %ge3A_44 : vector<120x1920xi1>
    %sub3A_46 = arith.subf %roll3A_2, %get3A_1 : vector<120x1920xf32>
    %abs3A_47 = math.absf %sub3A_46 : vector<120x1920xf32>
    %lt3A_48 = arith.constant 1.000000e-01 : f32
    %lt3A_49 = vector.broadcast %lt3A_48 : f32 to vector<120x1920xf32>
    %lt3A_50 = arith.cmpf olt, %abs3A_47, %lt3A_49 : vector<120x1920xf32>
    %sub3A_51 = arith.subf %roll3A_4, %roll3A_2 : vector<120x1920xf32>
    %abs3A_52 = math.absf %sub3A_51 : vector<120x1920xf32>
    %lt3A_53 = arith.constant 5.000000e-02 : f32
    %lt3A_54 = vector.broadcast %lt3A_53 : f32 to vector<120x1920xf32>
    %lt3A_55 = arith.cmpf olt, %abs3A_52, %lt3A_54 : vector<120x1920xf32>
    %and3A_56 = arith.andi %lt3A_50, %lt3A_55 : vector<120x1920xi1>
    %sub3A_57 = arith.subf %roll3A_6, %get3A_1 : vector<120x1920xf32>
    %abs3A_58 = math.absf %sub3A_57 : vector<120x1920xf32>
    %lt3A_59 = arith.constant 5.000000e-02 : f32
    %lt3A_60 = vector.broadcast %lt3A_59 : f32 to vector<120x1920xf32>
    %lt3A_61 = arith.cmpf olt, %abs3A_58, %lt3A_60 : vector<120x1920xf32>
    %and3A_62 = arith.andi %and3A_56, %lt3A_61 : vector<120x1920xi1>
    %mul3A_63 = arith.constant 2.000000e+00 : f32
    %mul3A_64 = vector.broadcast %mul3A_63 : f32 to vector<120x1920xf32>
    %mul3A_65 = arith.mulf %mul3A_64, %roll3A_6 : vector<120x1920xf32>
    %add3A_66 = arith.addf %mul3A_65, %get3A_1 : vector<120x1920xf32>
    %add3A_67 = arith.addf %add3A_66, %roll3A_2 : vector<120x1920xf32>
    %add3A_68 = arith.constant 2.000000e+00 : f32
    %add3A_69 = vector.broadcast %add3A_68 : f32 to vector<120x1920xf32>
    %add3A_70 = arith.addf %add3A_67, %add3A_69 : vector<120x1920xf32>
    %mul3A_71 = arith.constant 2.500000e-01 : f32
    %mul3A_72 = vector.broadcast %mul3A_71 : f32 to vector<120x1920xf32>
    %mul3A_73 = arith.mulf %add3A_70, %mul3A_72 : vector<120x1920xf32>
    %and3A_74 = arith.andi %and3A_15, %and3A_30 : vector<120x1920xi1>
    %and3A_75 = arith.andi %and3A_45, %and3A_62 : vector<120x1920xi1>
    %select_n3A = arith.select %and3A_75, %mul3A_73, %get3A_1 : vector<120x1920xi1>, vector<120x1920xf32>
    %select_n3A_76 = arith.select %and3A_74, %mul3A_39, %select_n3A : vector<120x1920xi1>, vector<120x1920xf32>
    %swap3A = arith.constant 0 : index
    %swap3A_77 = arith.constant 0 : index
    %swap3A_78 = vector.load %arg2[%swap3A, %swap3A_77] : memref<120x1920xf32, #tpu.memory_space<vmem>>, vector<120x1920xf32>
    tpu.vector_store %arg2[%swap3A, %swap3A_77], %select_n3A_76 {strides = array<i32>} : memref<120x1920xf32, #tpu.memory_space<vmem>>, vector<120x1920xf32>,
    return
  }
  func.func @transform_0(%arg0: i32) -> (i32, i32) {
    %c0_i32 = arith.constant 0 : i32
    %c0_i32_0 = arith.constant 0 : i32
    return %arg0, %c0_i32 : i32, i32
  }
  func.func @transform_1(%arg0: i32) -> (i32, i32) {
    %c0_i32 = arith.constant 0 : i32
    %c0_i32_0 = arith.constant 0 : i32
    return %arg0, %c0_i32 : i32, i32
  }
}

</mosaic_0001>

<sc_bundles>
// kernel: kernel.4.cloned.1.call-start
scs
__scs_entry_jumppad:
0x0: {  	(pc) =	sbr.rel $0x88, $3  }
0x1: {  	(tag) =	ssettag $0x0;
	lr =	simm.s32 $0x1  }
0x2: {  	[smem:$0x3FA0] =	sst lr;
	_ =	strace $0xD0000000  }
0x3: {  	_ = 	snop  }
0x4: {  	_ = 	snop  }
0x5: {  	_ = 	snop  }
0x6: {  	_ = 	snop  }
0x7: {  	_ = 	snop  }
__scs_overlays_trampoline_lowered:
0x8: {  	[smem:$0x3FAF] =	sst s0  }
0x9: {  	[smem:$0x3FB0] =	sst s1  }
0xa: {  	[smem:$0x3FB1] =	sst s2  }
0xb: {  	[smem:$0x3FB2] =	sst s3  }
0xc: {  	[smem:$0x3FB3] =	sst s4  }
0xd: {  	[smem:$0x3FB4] =	sst s5  }
0xe: {  	[smem:$0x3FB5] =	sst s6  }
0xf: {  	[smem:$0x3FB6] =	sst s7  }
0x10: {  	[smem:$0x3FB7] =	sst s8  }
0x11: {  	[smem:$0x3FB8] =	sst s9;
	s0 =	simm.s32 @!p0 $0x0  }
0x12: {  	s1 =	sld [smem:$0x3F9E];
	s0 =	simm.s32 @p0 $0x1  }
0x13: {  	[smem:$0x3FB9] =	sst s0;
	s0 =	simm.s32 @!p1 $0x0  }
0x14: {  	s2 =	sld [smem:$0x3F9D];
	s0 =	simm.s32 @p1 $0x1  }
0x15: {  	[smem:$0x3FBA] =	sst s0;
	s0 =	simm.s32 @!p2 $0x0  }
0x16: {  	s3 =	sld [smem:$0x3FDB];
	s0 =	simm.s32 @p2 $0x1  }
0x17: {  	s4 =	simm.s32 $0x1BF5;
	[smem:$0x3FBC] =	sst s0  }
0x18: {  	s0 =	sld [smem:$0x3F9F];
	_ =	swait.ge [sflag:s4], $0x0  }
0x19: {  	s7 =	sld [smem:$0x3FA0]  }
0x1a: {  	s8 =	sadd.s32 $0xFFFFE003, lr  }
0x1b: {  	s9 =	sadd.s32 $0xFFFFFEF7, lr;
	s5 =	simm.s32 $0xFFFFFFFF;
	p2 =	slt.u32 s8, $0xFFFFF086  }
0x1c: {  	p1 =	slt.u32 s9, $0xF7A;
	s5 =	simm.s32 @!p2 $0x0  }
0x1d: {  	s5 =	simm.s32 @p1 $0x1;
	p0 =	seq.s32 s7, s2  }
0x1e: {  	s7 =	smul.u32 @!p0 $0xF7A, s2;
	p2 =	seq.s32 @!p0 s5, $0x0  }
0x1f: {  	s9 =	smul.u32 $0xF7A, s1;
	s8 =	simm.s32 @!p0 $0x1BF5;
	p2 =	por !p2, p0  }
0x20: {  	[sflag:s8] =	ssyncset.s32 @!p0 $0xFFFFF086;
	s6 =	sadd.s32 @!p0 s3, s7;
	s7 =	simm.s32 @!p0 $0x108  }
0x21: {  	s3 =	sadd.s32 s3, s9;
	s6 =	sadd.s32 @!p0 $0x88, s6;
	s7 =	simm.s32 @p2 $0x1082  }
0x22: {  	[simem:s7], [sflag:s8] =	dma.local @!p0 [hbm:s6], $0xF7A  }
0x23: {  	s9 =	sor.u32 $0xD0000000, s2;
	s6 =	simm.s32 $0x108;
	_ =	swait.ge @!p0 [sflag:s8], $0x0  }
0x24: {  	s3 =	sadd.s32 $0x88, s3;
	s6 =	simm.s32 @!p1 $0x1082;
	[sflag:s4] =	ssyncset.s32 $0xFFFFF086  }
0x25: {  	[simem:s6], [sflag:s4] =	dma.local [hbm:s3], $0xF7A  }
0x26: {  	[smem:$0x3FA0] =	sst s1;
	(tag) =	ssettag s2;
	_ =	strace s9  }
0x27: {  	s1 =	sld [smem:$0x3FB0]  }
0x28: {  	s2 =	sld [smem:$0x3FB1]  }
0x29: {  	s4 =	sld [smem:$0x3FB3]  }
0x2a: {  	p0 =	seq.s32 s5, $0x0;
	s5 =	sld [smem:$0x3FB4]  }
0x2b: {  	s6 =	sld [smem:$0x3FB5]  }
0x2c: {  	s7 =	sld [smem:$0x3FB6]  }
0x2d: {  	s3 =	simm.s32 $0x108;
	s8 =	sld [smem:$0x3FB7]  }
0x2e: {  	s3 =	simm.s32 @!p0 $0x1082;
	s9 =	sld [smem:$0x3FB8]  }
0x2f: {  	lr =	sadd.s32 s0, s3;
	s0 =	sld [smem:$0x3FAF]  }
0x30: {  	s3 =	sld [smem:$0x3FB2]  }
0x31: {  	[smem:$0x3FBB] =	sst s10  }
0x32: {  	s10 =	sld [smem:$0x3FB9];
	_ =	sdelay $0x3  }
0x33: {  	p0 =	seq.s32 s10, $0x1;
	s10 =	sld [smem:$0x3FBB];
	_ =	sdelay $0x3  }
0x34: {  	[smem:$0x3FBB] =	sst s10  }
0x35: {  	s10 =	sld [smem:$0x3FBA];
	_ =	sdelay $0x3  }
0x36: {  	p1 =	seq.s32 s10, $0x1;
	s10 =	sld [smem:$0x3FBB];
	_ =	sdelay $0x3  }
0x37: {  	[smem:$0x3FBB] =	sst s10  }
0x38: {  	s10 =	sld [smem:$0x3FBC]  }
0x39: {  	_ = 	snop;
	(pc) =	sbr.ind lr, $3  }
0x3a: {  	_ = 	snop  }
0x3b: {  	_ = 	snop  }
0x3c: {  	p2 =	seq.s32 s10, $0x1;
	s10 =	sld [smem:$0x3FBB]  }
0x3d: {  	_ =	shalt  }
0x3e: {  	_ =	shalt  }
0x3f: {  	_ =	shalt  }
0x40: {  	_ =	shalt  }
0x41: {  	_ =	shalt  }
0x42: {  	_ =	shalt  }
0x43: {  	_ =	shalt  }
0x44: {  	_ =	shalt  }
0x45: {  	_ =	shalt  }
0x46: {  	_ =	shalt  }
0x47: {  	_ =	shalt  }
0x48: {  	_ =	shalt  }
0x49: {  	_ =	shalt  }
0x4a: {  	_ =	shalt  }
0x4b: {  	_ =	shalt  }
0x4c: {  	_ =	shalt  }
0x4d: {  	_ =	shalt  }
0x4e: {  	_ =	shalt  }
0x4f: {  	_ =	shalt  }
0x50: {  	_ =	shalt  }
0x51: {  	_ =	shalt  }
0x52: {  	_ =	shalt  }
0x53: {  	_ =	shalt  }
0x54: {  	_ =	shalt  }
0x55: {  	_ =	shalt  }
0x56: {  	_ =	shalt  }
0x57: {  	_ =	shalt  }
0x58: {  	_ =	shalt  }
0x59: {  	_ =	shalt  }
0x5a: {  	_ =	shalt  }
0x5b: {  	_ =	shalt  }
0x5c: {  	_ =	shalt  }
0x5d: {  	_ =	shalt  }
0x5e: {  	_ =	shalt  }
0x5f: {  	_ =	shalt  }
0x60: {  	_ =	shalt  }
0x61: {  	_ =	shalt  }
0x62: {  	_ =	shalt  }
0x63: {  	_ =	shalt  }
0x64: {  	_ =	shalt  }
0x65: {  	_ =	shalt  }
0x66: {  	_ =	shalt  }
0x67: {  	_ =	shalt  }
0x68: {  	_ =	shalt  }
0x69: {  	_ =	shalt  }
0x6a: {  	_ =	shalt  }
0x6b: {  	_ =	shalt  }
0x6c: {  	_ =	shalt  }
0x6d: {  	_ =	shalt  }
0x6e: {  	_ =	shalt  }
0x6f: {  	_ =	shalt  }
0x70: {  	_ =	shalt  }
0x71: {  	_ =	shalt  }
0x72: {  	_ =	shalt  }
0x73: {  	_ =	shalt  }
0x74: {  	_ =	shalt  }
0x75: {  	_ =	shalt  }
0x76: {  	_ =	shalt  }
0x77: {  	_ =	shalt  }
0x78: {  	_ =	shalt  }
0x79: {  	_ =	shalt  }
0x7a: {  	_ =	shalt  }
0x7b: {  	_ =	shalt  }
0x7c: {  	_ =	shalt  }
0x7d: {  	_ =	shalt  }
0x7e: {  	_ =	shalt  }
0x7f: {  	_ =	shalt  }
0x80: {  	_ =	shalt  }
0x81: {  	_ =	shalt  }
0x82: {  	_ =	shalt  }
0x83: {  	_ =	shalt  }
0x84: {  	_ =	shalt  }
0x85: {  	_ =	shalt  }
0x86: {  	_ =	shalt  }
0x87: {  	_ =	shalt  }
.Lfunc_end0:
.L_simem_size_0:
called_computation_lowered:
.L_overlay_start_0:
0x88: {  	s2 =	sld [smem:$0x3FD9]  }
0x89: {  	s3 =	sld [smem:$0x3FFE];
	_ =	sdelay $0x1  }
0x8a: {  	s1 =	srdreg.scid  }
0x8b: {  	s0 =	sand.u32 $0x1, s1  }
0x8c: {  	s17 =	sshll.u32 s0, $0xA;
	s2 =	sadd.s32 s3, s2  }
0x8d: {  	s2 =	sadd.s32 s2, s17  }
0x8e: {  	[smem:$0x3FC7] =	sst s2  }
0x8f: {  	_ = 	snop  }
0x90: {  	s2 =	sld [smem:$0x3FD0];
	(tm) =	ssettm $0x1  }
0x91: {  	s18 =	sld [smem:$0x3FFB];
	_ =	sdelay $0x3  }
0x92: {  	_ =	strace s18  }
0x93: {  	s3 =	sld [smem:$0x3FFC];
	_ =	sdelay $0x3  }
0x94: {  	_ =	strace s3  }
0x95: {  	s3 =	sld [smem:$0x3FFD];
	_ =	sdelay $0x3  }
0x96: {  	_ =	strace s3  }
0x97: {  	_ =	strace $0x8FFFFFFF  }
0x98: {  	s19 =	sld [smem:$0x3FDB];
	_ =	sdelay $0x1  }
0x99: {  	s4 =	simm.s32 $_scs_section_size  }
0x9a: {  	s5 =	simm.s32 $_size__tile_overlayer_lowered;
	s6 =	simm.s32 $_tile_overlayer_lowered  }
0x9b: {  	s22 =	simm.s32 $0x1BFF;
	s21 =	sshll.u32 s6, $0x1;
	s3 =	sadd.s32 s4, s19  }
0x9c: {  	s7 =	simm.s32 $0x0;
	s20 =	sshll.u32 s5, $0x1;
	s5 =	sadd.s32 s21, s3  }
0x9d: {  	[timem:s7], [sflag:s22] =	dma.local [hbm:s5], s20  }
0x9e: {  	_ =	swait.ge [sflag:s22], s20  }
0x9f: {  	s4 =	ssub.s32 $0x0, s20;
	[sflag:s22] =	ssyncset.done $0x0  }
0xa0: {  	[sflag:s22] =	ssyncadd.s32 s4;
	_ =	sdelay $0x1  }
0xa1: {  	s23 =	simm.s32 $0x1B8B  }
0xa2: {  	_ =	swait.ge [sflag:s23], $0x1  }
0xa3: {  	[sflag:s23] =	ssyncset.done $0x0  }
0xa4: {  	s25 =	simm.s32 $0x1B8E;
	s24 =	sld [smem:$0x3FFE];
	[sflag:s23] =	ssyncadd.s32 $0xFFFFFFFF  }
0xa5: {  	s26 =	simm.s32 $execute0_lowered;
	[smem:$0x3FD2] =	sst s25  }
0xa6: {  	s5 =	sshll.u32 s26, $0x1;
	_ =	strace $0x80000046;
	[dreg:$0x1] =	wrdreg $0xFFFFFFFF  }
0xa7: {  	s28 =	simm.s32 $_size_execute0_lowered;
	s3 =	sadd.s32 s3, s5;
	[dreg:$0x0] =	wrdreg $0x0  }
0xa8: {  	s5 =	sshll.u32 s28, $0x1;
	[dreg:$0x2] =	wrdreg s3  }
0xa9: {  	[dreg:$0x3] =	wrdreg s5  }
0xaa: {  	[dreg:$0x4] =	wrdreg $0xC0  }
0xab: {  	_ =	task [dreg:s7], $0x5FFFF  }
0xac: {  	[dreg:$0x1] =	wrdreg $0xFFFFFFFF  }
0xad: {  	[dreg:$0x0] =	wrdreg $0x60  }
0xae: {  	[dreg:$0x2] =	wrdreg s2  }
0xaf: {  	[dreg:$0x3] =	wrdreg s24  }
0xb0: {  	[dreg:$0x4] =	wrdreg $0x9  }
0xb1: {  	_ =	task.clear_ibuf [dreg:s7], $0x5FFFF;
	_ =	strace $0x90000046  }
0xb2: {  	s29 =	simm.s32 $0x9;
	_ =	strace $0x80000048  }
0xb3: {  	_ =	swait.ge [sflag:s29], $0x1  }
0xb4: {  	[sflag:s29] =	ssyncadd.s32 $0xFFFFFFFF  }
0xb5: {  	_ =	strace $0x90000048  }
0xb6: {  	_ =	sfence  }
0xb7: {  	s30 =	sld [smem:$0x0];
	_ =	sdelay $0x2  }
0xb8: {  	s31 =	sshll.u32 s1, $0xD;
	s1 =	sshrl.u32 s1, $0x2  }
0xb9: {  	s3 =	sand.u32 $0x4000, s31;
	s1 =	sadd.s32 s1, s30  }
0xba: {  	s0 =	sor.u32 s3, s0;
	s1 =	sshll.u32 s1, $0x11  }
0xbb: {  	s0 =	sor.u32 s1, s0  }
0xbc: {  	s0 =	sadd.s32 $0x8F2B, s0  }
0xbd: {  	[sflag:s0] =	ssyncadd.remote.s32 $0x1  }
0xbe: {  	_ =	sfence.sel $0xFFFF  }
0xbf: {  	[dreg:$0x0] =	wrdreg $0xFFFFFFFF;
	(pc) =	sbr.abs _section_cstart, $3  }
0xc0: {  	[dreg:$0x1] =	wrdreg $0xFFFFFFFF  }
0xc1: {  	_ =	task.clear_ibuf [dreg:s7], $0x2FFFF;
	_ =	strace $0x9FFFFFFF  }
0xc2: {  	(tm) =	ssettm $0x7FFFFFFF  }
0xc3: {  	_ =	shalt  }
tec
execute0_lowered:
.L_overlay_start_1:
0x0: {  	(tag) =	ssettag $0x1  }
0x1: {  	v0 =	vimm.s32 $0xBA983210  }
0x2: {  	s1 =	srdreg.scid;
	s2 =	stileid.u32;
	v0 =	vunpack.c.l.s4.s8 v0  }
0x3: {  	v1 =	vimm.s32 $0x13121110;
	v2 =	vimm.s32 $0x1B1A1918;
	s1 =	sand.u32 $0x1, s1;
	s2 =	sshll.u32 s2, $0x1  }
0x4: {  	s18 =	rddreg [dreg:$0x0];
	v1 =	vunpack.c.0.s8.s32 v1;
	v2 =	vunpack.c.0.s8.s32 v2;
	s2 =	sor.u32 s1, s2;
	v0 =	vunpack.c.0.s8.s32 v0  }
0x5: {  	s0 =	rddreg [dreg:$0x1];
	vm0 =	vcmask $0x1F10;
	s4 =	sshll.u32 s2, $0x1;
	s28 =	smin.u32 s2, $0x6  }
0x6: {  	s6 =	sshll.u32 s2, $0x5;
	v1 =	vsel vm0, v2, v1;
	s11 =	sadd.s32 s4, s0;
	s4 =	sshll.u32 s28, $0x3;
	v0 =	vand.u32 $0xF, v0  }
0x7: {  	s3 =	simm.s32 $0x0;
	s15 =	simm.s32 $0x1;
	s4 =	sadd.s32 s6, s4;
	v0 =	vcombine.low v0, v1  }
0x8: {  	s16 =	simm.s32 $0x0;
	[smem:$0x7FF] =	sst s3;
	s12 =	sor.u32 $0x6, s4  }
0x9: {  	s19 =	sadd.s32 $0x100, s18;
	s20 =	sadd.s32 $0x300, s18;
	s7 =	sadd.s32 $0x400, s18;
	v0 =	vadd.s32 s12, v0  }
0xa: {  	v7 =	vlaneseq.u32;
	s21 =	sadd.s32 $0x500, s18;
	_ =	strace $0x80000047;
	[dreg:$0x3] =	wrdreg s19;
	v1 =	vshrl.u32 v0, $0x3  }
0xb: {  	vm1 =	vmmov $0xff;
	vm2 =	vmmov $0xfff;
	s22 =	sadd.s32 $0x700, s18;
	s1 =	ssub.s32 $0x2, s1;
	[dreg:$0x4] =	wrdreg s20;
	v1 =	vmul.u32 $0x78, v1  }
0xc: {  	vm3 =	vmmov $0x3fff;
	v4 =	vor.u32 $0x8, v7;
	[dreg:$0x5] =	wrdreg s21;
	s5 =	sshrl.u32 s1, $0x1;
	s2 =	smul.u32 $0x18, s2;
	v2 =	vand.u32 $0x7, v0  }
0xd: {  	[dreg:$0x6] =	wrdreg s22;
	s1 =	ssub.s32 s1, s5;
	s29 =	sadd.s32 $0xA00, s11;
	v3 =	vor.u32 v2, v1;
	v1 =	vand.u32 $0x7, v7;
	v2 =	vshrl.u32 v7, $0x3  }
0xe: {  	v6 =	vshrl.u32 v7, $0x2;
	s2 =	sshrl.u32 s2, $0x3;
	s30 =	sadd.s32 $0xA01, s11;
	[dreg:$0x8] =	wrdreg s29;
	v5 =	vperm.xlane v3, v1;
	v2 =	vmul.u32 $0x8, v2  }
0xf: {  	v8 =	vshrl.u32 v7, $0x1;
	v6 =	vmul.u32 $0x8, v6;
	s31 =	smax.u32 s1, $0x1;
	s0 =	sadd.s32 s0, s2;
	[dreg:$0x9] =	wrdreg s30;
	v4 =	vperm.xlane v3, v4  }
0x10: {  	s9 =	sadd.s32 $0x600, s18;
	v8 =	vmul.u32 $0x8, v8;
	vm0 =	vmmov $0xffff;
	[dreg:$0xa] =	wrdreg s31;
	s0 =	sadd.s32 $0xC02, s0;
	v3 =	vadd.s32 v2, v5  }
0x11: {  	s5 =	sadd.s32 $0x200, s18;
	s1 =	simm.s32 $0x4;
	[dreg:$0x7] =	wrdreg s0;
	v4 =	vadd.s32 v2, v4;
	v5 =	vand.u32 $0x3, v7;
	v7 =	vand.u32 $0x1, v7  }
.LBB2_1:
0x12: {  	_ =	sdelay $0x2  }
0x13: {  	[tilespmem:$0xE100] =	vst v0  }
0x14: {  	[tilespmem:s3], [sflag:$0x2] =	stream.indirect_vreg.gather [hbm4b:s18+s3], $0x80, v3, vm0, $0xb8;
	[tilespmem:$0xE300] =	vst v63  }
0x15: {  	s0 =	simm.s32 $0x800  }
0x16: {  	[tilespmem:s0], [sflag:$0x2] =	stream.indirect_vreg.gather [hbm4b:s19+s3], $0x80, v3, vm0, $0xb8;
	[tilespmem:$0xE300] =	vst v63  }
0x17: {  	s11 =	simm.s32 $0x1000  }
0x18: {  	[tilespmem:s11], [sflag:$0x2] =	stream.indirect_vreg.gather [hbm4b:s5+s3], $0x80, v3, vm0, $0xb8;
	[tilespmem:$0xE300] =	vst v63  }
0x19: {  	s12 =	simm.s32 $0x1800  }
0x1a: {  	[tilespmem:s12], [sflag:$0x2] =	stream.indirect_vreg.gather [hbm4b:s20+s3], $0x80, v3, vm0, $0xb8;
	[tilespmem:$0xE300] =	vst v63  }
0x1b: {  	s13 =	simm.s32 $0x2000  }
0x1c: {  	[tilespmem:s13], [sflag:$0x2] =	stream.indirect_vreg.gather [hbm4b:s7+s3], $0x80, v3, vm0, $0xb8;
	[tilespmem:$0xE300] =	vst v63  }
0x1d: {  	s14 =	simm.s32 $0x2800  }
0x1e: {  	[tilespmem:s14], [sflag:$0x2] =	stream.indirect_vreg.gather [hbm4b:s21+s3], $0x80, v3, vm0, $0xb8;
	[tilespmem:$0xE300] =	vst v63  }
0x1f: {  	s17 =	simm.s32 $0x3000  }
0x20: {  	[tilespmem:s17], [sflag:$0x2] =	stream.indirect_vreg.gather [hbm4b:s9+s3], $0x80, v3, vm0, $0xb8;
	[tilespmem:$0xE300] =	vst v63  }
0x21: {  	s23 =	simm.s32 $0x3800  }
0x22: {  	[tilespmem:s23], [sflag:$0x2] =	stream.indirect_vreg.gather [hbm4b:s22+s3], $0x80, v3, vm1, $0xb8;
	[tilespmem:$0xE300] =	vst v63  }
0x23: {  	s24 =	simm.s32 $0x3C00  }
0x24: {  	[tilespmem:s24], [sflag:$0x2] =	stream.indirect_vreg.gather [hbm4b:s18+s3], $0x80, v4, vm0, $0xb8;
	[tilespmem:$0xE300] =	vst v63  }
0x25: {  	s25 =	simm.s32 $0x4400  }
0x26: {  	[tilespmem:s25], [sflag:$0x2] =	stream.indirect_vreg.gather [hbm4b:s19+s3], $0x80, v4, vm0, $0xb8;
	[tilespmem:$0xE300] =	vst v63  }
0x27: {  	s26 =	simm.s32 $0x4C00  }
0x28: {  	[tilespmem:s26], [sflag:$0x2] =	stream.indirect_vreg.gather [hbm4b:s5+s3], $0x80, v4, vm0, $0xb8;
	[tilespmem:$0xE300] =	vst v63  }
0x29: {  	s2 =	simm.s32 $0x5400  }
0x2a: {  	[tilespmem:s2], [sflag:$0x2] =	stream.indirect_vreg.gather [hbm4b:s20+s3], $0x80, v4, vm0, $0xb8;
	[tilespmem:$0xE300] =	vst v63  }
0x2b: {  	s4 =	simm.s32 $0x5C00  }
0x2c: {  	[tilespmem:s4], [sflag:$0x2] =	stream.indirect_vreg.gather [hbm4b:s7+s3], $0x80, v4, vm0, $0xb8;
	[tilespmem:$0xE300] =	vst v63  }
0x2d: {  	s6 =	simm.s32 $0x6400  }
0x2e: {  	[tilespmem:s6], [sflag:$0x2] =	stream.indirect_vreg.gather [hbm4b:s21+s3], $0x80, v4, vm0, $0xb8;
	[tilespmem:$0xE300] =	vst v63  }
0x2f: {  	s8 =	simm.s32 $0x6C00  }
0x30: {  	[tilespmem:s8], [sflag:$0x2] =	stream.indirect_vreg.gather [hbm4b:s9+s3], $0x80, v4, vm0, $0xb8;
	[tilespmem:$0xE300] =	vst v63  }
0x31: {  	s10 =	simm.s32 $0x7400  }
0x32: {  	[tilespmem:s10], [sflag:$0x2] =	stream.indirect_vreg.gather [hbm4b:s22+s3], $0x80, v4, vm1, $0xb8;
	[tilespmem:$0xE300] =	vst v63  }
0x33: {  	s11 =	rddreg [dreg:$0x7];
	s2 =	simm.s32 $0xE180  }
0x34: {  	[tilespmem:s2], [sflag:$0x1] =	stream.linear.gather [hbm4b:s11+s3], $0x4, $0x38;
	[tilespmem:$0xE300] =	vst v63  }
0x35: {  	s12 =	rddreg [dreg:$0x8];
	s13 =	simm.s32 $0xE200  }
0x36: {  	[tilespmem:s13], [sflag:$0x1] =	stream.linear.gather [hbm4b:s12+s3], $0x8, $0x38;
	[tilespmem:$0xE300] =	vst v63  }
0x37: {  	s14 =	rddreg [dreg:$0x9];
	s17 =	simm.s32 $0xE280  }
0x38: {  	[tilespmem:s17], [sflag:$0x1] =	stream.linear.gather [hbm4b:s14+s3], $0x2, $0x38;
	[tilespmem:$0xE300] =	vst v63  }
0x39: {  	_ =	swait.ge [sflag:s15], $0x4  }
0x3a: {  	[sflag:s15] =	ssyncset.done $0x0  }
0x3b: {  	[sflag:s15] =	ssyncadd.s32 $0xFFFFFFFC  }
0x3c: {  	_ =	swait.ge [sflag:s15], $0x8  }
0x3d: {  	[sflag:s15] =	ssyncset.done $0x0  }
0x3e: {  	[sflag:s15] =	ssyncadd.s32 $0xFFFFFFF8  }
0x3f: {  	_ =	swait.ge [sflag:s15], $0x2  }
0x40: {  	[sflag:s15] =	ssyncset.done $0x0  }
0x41: {  	[sflag:s15] =	ssyncadd.s32 $0xFFFFFFFE  }
0x42: {  	v9 =	vld.msk [tilespmem:$0xE180], $0xf;
	_ =	sdelay $0x4  }
0x43: {  	v10 =	vshrl.u32 v9, $0x3  }
0x44: {  	v10 =	vmul.u32 $0x78, v10  }
0x45: {  	v9 =	vand.u32 $0x7, v9  }
0x46: {  	v9 =	vor.u32 v9, v10  }
0x47: {  	v9 =	vperm.xlane v9, v5;
	_ =	sdelay $0x1  }
0x48: {  	v9 =	vadd.s32 v6, v9;
	_ =	sdelay $0x3  }
0x49: {  	s19 =	simm.s32 $0x7800  }
0x4a: {  	[tilespmem:s19], [sflag:$0x3] =	stream.indirect_vreg.gather [hbm4b:s18+s3], $0x80, v9, vm0, $0xb8;
	[tilespmem:$0xE300] =	vst v63  }
0x4b: {  	s20 =	simm.s32 $0x8000  }
0x4c: {  	[tilespmem:s20], [sflag:$0x3] =	stream.indirect_vreg.gather [hbm4b:s5+s3], $0x80, v9, vm0, $0xb8;
	[tilespmem:$0xE300] =	vst v63  }
0x4d: {  	s21 =	simm.s32 $0x8800  }
0x4e: {  	[tilespmem:s21], [sflag:$0x3] =	stream.indirect_vreg.gather [hbm4b:s7+s3], $0x80, v9, vm0, $0xb8;
	[tilespmem:$0xE300] =	vst v63  }
0x4f: {  	s23 =	simm.s32 $0x2;
	s22 =	simm.s32 $0x9000  }
0x50: {  	[tilespmem:s22], [sflag:$0x3] =	stream.indirect_vreg.gather [hbm4b:s9+s3], $0x80, v9, vm2, $0xb8;
	[tilespmem:$0xE300] =	vst v63  }
0x51: {  	s13 =	sand.u32 $0x60, s3;
	_ =	swait.ge [sflag:s23], $0x7800  }
0x52: {  	s28 =	sand.u32 $0x3C00, s3;
	s26 =	sor.u32 $0x10, s13;
	[sflag:s23] =	ssyncset.done $0x0  }
0x53: {  	s29 =	sor.u32 s28, s26;
	[sflag:s23] =	ssyncadd.s32 $0xFFFF8800  }
0x54: {  	v9 =	vld [tilespmem:s29+$0x100]  }
0x55: {  	v10 =	vld [tilespmem:s29+$0x0]  }
0x56: {  	v11 =	vld [tilespmem:s29+$0x180]  }
0x57: {  	v12 =	vld [tilespmem:s29+$0x80];
	_ =	sdelay $0x2  }
0x58: {  	v13 =	vadd.f32 v10, v10  }
0x59: {  	v14 =	vadd.f32 v11, v11  }
0x5a: {  	s0 =	sor.u32 s13, s28;
	v11 =	vsub.f32 v11, v9;
	v13 =	vadd.f32 v12, v13  }
0x5b: {  	v15 =	vld [tilespmem:s0+$0x0];
	v16 =	vsub.f32 v12, v9;
	v14 =	vadd.f32 v14, v9  }
0x5c: {  	v17 =	vld [tilespmem:s0+$0x180];
	v10 =	vsub.f32 v10, v12;
	v13 =	vadd.f32 v9, v13  }
0x5d: {  	v18 =	vld [tilespmem:s0+$0x80];
	v11 =	vand.u32 $0x7FFFFFFF, v11;
	v14 =	vadd.f32 v14, v12  }
0x5e: {  	v19 =	vld [tilespmem:s0+$0x100];
	v16 =	vand.u32 $0x7FFFFFFF, v16;
	v10 =	vand.u32 $0x7FFFFFFF, v10;
	v13 =	vadd.f32 $2.000000000e+00, v13  }
0x5f: {  	vm4 =	vlt.f32 v16, $1.000000010e-01;
	vm5 =	vlt.f32 v10, $5.000000070e-02;
	v10 =	vadd.f32 $2.000000000e+00, v14  }
0x60: {  	s24 =	sand.u32 $0x3, s3;
	vm4 =	vmand vm5, vm4;
	vm5 =	vlt.f32 v11, $5.000000070e-02;
	v11 =	vmul.f32 $2.500000000e-01, v13  }
0x61: {  	s2 =	sshll.u32 s24, $0x5;
	vm4 =	vmand vm4, vm5;
	v10 =	vmul.f32 $2.500000000e-01, v10;
	v13 =	vadd.f32 v15, v15  }
0x62: {  	s2 =	sadd.s32 $0x0, s2;
	v11 =	vsel vm4, v11, v12;
	v12 =	vadd.f32 v17, v17  }
0x63: {  	s12 =	sadd.s32 $0x10, s2;
	v14 =	vsub.f32 v18, v19;
	v9 =	vsel vm4, v10, v9;
	v10 =	vadd.f32 v18, v13;
	[tilespmem:s29+$0x9600] =	vst v11  }
0x64: {  	s11 =	sor.u32 $0x380, s12;
	v11 =	vsub.f32 v15, v18;
	[tilespmem:s29+$0x9680] =	vst v9;
	v9 =	vld [tilespmem:s29+$0x200];
	v12 =	vadd.f32 v12, v19  }
0x65: {  	v13 =	vand.u32 $0x7FFFFFFF, v14;
	v14 =	vld [tilespmem:s11+$0x0];
	v10 =	vadd.f32 v19, v10  }
0x66: {  	s12 =	sor.u32 $0x300, s12;
	v16 =	vld [tilespmem:s29+$0x280];
	v15 =	vsub.f32 v17, v19;
	v11 =	vand.u32 $0x7FFFFFFF, v11;
	v12 =	vadd.f32 v12, v18  }
0x67: {  	vm4 =	vlt.f32 v13, $1.000000010e-01;
	vm5 =	vlt.f32 v11, $5.000000070e-02;
	v11 =	vld [tilespmem:s12+$0x0];
	v10 =	vadd.f32 $2.000000000e+00, v10  }
0x68: {  	v13 =	vand.u32 $0x7FFFFFFF, v15;
	vm4 =	vmand vm5, vm4;
	v12 =	vadd.f32 $2.000000000e+00, v12  }
0x69: {  	vm5 =	vlt.f32 v13, $5.000000070e-02;
	v15 =	vadd.f32 v9, v9;
	v10 =	vmul.f32 $2.500000000e-01, v10  }
0x6a: {  	vm4 =	vmand vm4, vm5;
	v13 =	vadd.f32 v14, v14;
	v12 =	vmul.f32 $2.500000000e-01, v12  }
0x6b: {  	v15 =	vadd.f32 v16, v15;
	v10 =	vsel vm4, v10, v18  }
0x6c: {  	v9 =	vsub.f32 v9, v16;
	v13 =	vadd.f32 v13, v11;
	[tilespmem:s0+$0x9600] =	vst v10;
	v12 =	vsel vm4, v12, v19  }
0x6d: {  	s17 =	sor.u32 $0x380, s2;
	v17 =	vld [tilespmem:s0+$0x200];
	v10 =	vsub.f32 v16, v11;
	v15 =	vadd.f32 v11, v15;
	[tilespmem:s0+$0x9680] =	vst v12  }
0x6e: {  	s18 =	sor.u32 $0x300, s2;
	v9 =	vand.u32 $0x7FFFFFFF, v9;
	v12 =	vsub.f32 v14, v11;
	v13 =	vadd.f32 v13, v16;
	v14 =	vld [tilespmem:s17+$0x0]  }
0x6f: {  	vm4 =	vlt.f32 v9, $5.000000070e-02;
	v10 =	vand.u32 $0x7FFFFFFF, v10;
	v9 =	vadd.f32 $2.000000000e+00, v15;
	v15 =	vld [tilespmem:s0+$0x280]  }
0x70: {  	vm5 =	vlt.f32 v10, $1.000000010e-01;
	v10 =	vand.u32 $0x7FFFFFFF, v12;
	v12 =	vadd.f32 $2.000000000e+00, v13;
	v13 =	vld [tilespmem:s18+$0x0]  }
0x71: {  	vm4 =	vmand vm4, vm5;
	vm5 =	vlt.f32 v10, $5.000000070e-02;
	v9 =	vmul.f32 $2.500000000e-01, v9  }
0x72: {  	vm4 =	vmand vm4, vm5;
	v10 =	vmul.f32 $2.500000000e-01, v12;
	v12 =	vadd.f32 v17, v17  }
0x73: {  	v9 =	vsel vm4, v9, v16;
	v16 =	vadd.f32 v14, v14  }
0x74: {  	s14 =	sadd.s32 $0x3C00, s28;
	v10 =	vsel vm4, v10, v11;
	[tilespmem:s29+$0x9700] =	vst v9;
	v9 =	vadd.f32 v15, v12  }
0x75: {  	s6 =	sadd.s32 $0x3D80, s28;
	s8 =	sor.u32 s26, s14;
	[tilespmem:s29+$0x9780] =	vst v10;
	v10 =	vsub.f32 v17, v15;
	v11 =	vadd.f32 v16, v13  }
0x76: {  	s25 =	sadd.s32 $0x3C80, s28;
	s23 =	sor.u32 s26, s6;
	v16 =	vsub.f32 v15, v13;
	v9 =	vadd.f32 v13, v9;
	v17 =	vld [tilespmem:s8+$0x0]  }
0x77: {  	s10 =	sadd.s32 $0x3D00, s28;
	s4 =	sor.u32 s26, s25;
	v14 =	vsub.f32 v14, v13;
	v18 =	vld [tilespmem:s23+$0x0];
	v10 =	vand.u32 $0x7FFFFFFF, v10;
	v11 =	vadd.f32 v11, v15  }
0x78: {  	s24 =	sor.u32 s26, s10;
	v12 =	vld [tilespmem:s4+$0x0];
	vm4 =	vlt.f32 v10, $5.000000070e-02;
	v10 =	vand.u32 $0x7FFFFFFF, v16;
	v9 =	vadd.f32 $2.000000000e+00, v9  }
0x79: {  	v16 =	vld [tilespmem:s24+$0x0];
	vm5 =	vlt.f32 v10, $1.000000010e-01;
	v10 =	vand.u32 $0x7FFFFFFF, v14;
	v11 =	vadd.f32 $2.000000000e+00, v11  }
0x7a: {  	vm4 =	vmand vm4, vm5;
	vm5 =	vlt.f32 v10, $5.000000070e-02;
	v9 =	vmul.f32 $2.500000000e-01, v9  }
0x7b: {  	vm4 =	vmand vm4, vm5;
	v10 =	vmul.f32 $2.500000000e-01, v11;
	v11 =	vadd.f32 v17, v17  }
0x7c: {  	v14 =	vadd.f32 v18, v18;
	v9 =	vsel vm4, v9, v15  }
0x7d: {  	[tilespmem:s0+$0x9700] =	vst v9;
	v9 =	vsel vm4, v10, v13;
	v11 =	vadd.f32 v12, v11  }
0x7e: {  	s14 =	sor.u32 s13, s14;
	v15 =	vsub.f32 v17, v12;
	v13 =	vadd.f32 v14, v16;
	[tilespmem:s0+$0x9780] =	vst v9  }
0x7f: {  	s20 =	sor.u32 s13, s6;
	v9 =	vsub.f32 v12, v16;
	v14 =	vld [tilespmem:s14+$0x0];
	v11 =	vadd.f32 v16, v11  }
0x80: {  	s2 =	sor.u32 s13, s25;
	v10 =	vsub.f32 v18, v16;
	v15 =	vand.u32 $0x7FFFFFFF, v15;
	v17 =	vld [tilespmem:s20+$0x0];
	v13 =	vadd.f32 v13, v12  }
0x81: {  	s25 =	sor.u32 s13, s10;
	s4 =	simm.s32 $0x20;
	vm5 =	vlt.f32 v15, $5.000000070e-02;
	v18 =	vld [tilespmem:s2+$0x0];
	v9 =	vand.u32 $0x7FFFFFFF, v9;
	v11 =	vadd.f32 $2.000000000e+00, v11  }
0x82: {  	s19 =	sand.u32 $0x60, s4;
	s24 =	simm.s32 $0x100;
	v10 =	vand.u32 $0x7FFFFFFF, v10;
	v19 =	vld [tilespmem:s25+$0x0];
	vm4 =	vlt.f32 v9, $1.000000010e-01;
	v9 =	vadd.f32 $2.000000000e+00, v13  }
0x83: {  	s22 =	sor.u32 $0x10, s19;
	s23 =	sand.u32 $0x3C00, s24;
	vm4 =	vmand vm5, vm4;
	vm5 =	vlt.f32 v10, $5.000000070e-02;
	v10 =	vmul.f32 $2.500000000e-01, v11  }
0x84: {  	s25 =	sor.u32 s23, s22;
	vm4 =	vmand vm4, vm5;
	v9 =	vmul.f32 $2.500000000e-01, v9  }
0x85: {  	v24 =	vld [tilespmem:s25+$0x80];
	v10 =	vsel vm4, v10, v12  }
0x86: {  	v13 =	vld [tilespmem:s25+$0x100];
	v11 =	vadd.f32 v14, v14;
	v15 =	vadd.f32 v17, v17;
	v9 =	vsel vm4, v9, v16;
	[tilespmem:s29+$0x9800] =	vst v10  }
0x87: {  	s14 =	sadd.s32 $0x3E80, s28;
	v16 =	vld [tilespmem:s25+$0x180];
	v10 =	vsub.f32 v18, v19;
	[tilespmem:s29+$0x9880] =	vst v9;
	v9 =	vsub.f32 v14, v18  }
0x88: {  	s31 =	sadd.s32 $0x3E00, s28;
	s6 =	sor.u32 s26, s14;
	v17 =	vsub.f32 v17, v19;
	v12 =	vld [tilespmem:s25+$0x0];
	v11 =	vadd.f32 v18, v11  }
0x89: {  	s21 =	sadd.s32 $0x3F80, s28;
	s29 =	sor.u32 s26, s31;
	v15 =	vadd.f32 v15, v19;
	v14 =	vld [tilespmem:s6+$0x0];
	v10 =	vand.u32 $0x7FFFFFFF, v10;
	v9 =	vand.u32 $0x7FFFFFFF, v9  }
0x8a: {  	s8 =	sor.u32 s26, s21;
	s20 =	sadd.s32 $0x3F00, s28;
	v20 =	vld [tilespmem:s29+$0x0];
	v11 =	vadd.f32 v19, v11;
	vm4 =	vlt.f32 v10, $1.000000010e-01;
	vm5 =	vlt.f32 v9, $5.000000070e-02  }
0x8b: {  	s26 =	sor.u32 s26, s20;
	v17 =	vand.u32 $0x7FFFFFFF, v17;
	v10 =	vld [tilespmem:s8+$0x0];
	v9 =	vadd.f32 v15, v18;
	vm4 =	vmand vm5, vm4  }
0x8c: {  	v15 =	vld [tilespmem:s26+$0x0];
	vm5 =	vlt.f32 v17, $5.000000070e-02;
	v11 =	vadd.f32 $2.000000000e+00, v11;
	v17 =	vsub.f32 v16, v13  }
0x8d: {  	v22 =	vadd.f32 v12, v12;
	v16 =	vadd.f32 v16, v16  }
0x8e: {  	v12 =	vsub.f32 v12, v24;
	v9 =	vadd.f32 $2.000000000e+00, v9;
	vm4 =	vmand vm4, vm5  }
0x8f: {  	v21 =	vadd.f32 v20, v20;
	v11 =	vmul.f32 $2.500000000e-01, v11;
	v16 =	vadd.f32 v16, v13  }
0x90: {  	v12 =	vand.u32 $0x7FFFFFFF, v12;
	v9 =	vmul.f32 $2.500000000e-01, v9;
	v23 =	vadd.f32 v10, v10  }
0x91: {  	vm6 =	vlt.f32 v12, $5.000000070e-02;
	v10 =	vsub.f32 v10, v15;
	v21 =	vadd.f32 v14, v21  }
0x92: {  	v11 =	vsel vm4, v11, v18;
	v18 =	vsub.f32 v14, v15;
	v16 =	vadd.f32 v16, v24  }
0x93: {  	v9 =	vsel vm4, v9, v19;
	v19 =	vsub.f32 v20, v14;
	v23 =	vadd.f32 v23, v15  }
0x94: {  	v20 =	vadd.f32 v15, v21;
	v10 =	vand.u32 $0x7FFFFFFF, v10;
	v18 =	vand.u32 $0x7FFFFFFF, v18  }
0x95: {  	s26 =	sor.u32 s19, s23;
	v12 =	vadd.f32 $2.000000000e+00, v16;
	v19 =	vand.u32 $0x7FFFFFFF, v19;
	vm4 =	vlt.f32 v18, $1.000000010e-01  }
0x96: {  	v25 =	vld [tilespmem:s26+$0x100];
	v21 =	vadd.f32 v23, v14;
	v20 =	vadd.f32 $2.000000000e+00, v20;
	vm5 =	vlt.f32 v19, $5.000000070e-02  }
0x97: {  	v19 =	vld [tilespmem:s26+$0x0];
	vm4 =	vmand vm5, vm4;
	vm5 =	vlt.f32 v10, $5.000000070e-02;
	v10 =	vadd.f32 v24, v22  }
0x98: {  	v22 =	vld [tilespmem:s26+$0x180];
	v18 =	vadd.f32 $2.000000000e+00, v21;
	v21 =	vsub.f32 v24, v13  }
0x99: {  	v17 =	vand.u32 $0x7FFFFFFF, v17;
	v23 =	vld [tilespmem:s26+$0x80];
	v10 =	vadd.f32 v13, v10  }
0x9a: {  	v12 =	vmul.f32 $2.500000000e-01, v12;
	v20 =	vmul.f32 $2.500000000e-01, v20;
	v21 =	vand.u32 $0x7FFFFFFF, v21  }
0x9b: {  	vm4 =	vmand vm4, vm5;
	v10 =	vadd.f32 $2.000000000e+00, v10;
	vm5 =	vlt.f32 v21, $1.000000010e-01  }
0x9c: {  	s30 =	simm.s32 $0x1;
	v18 =	vmul.f32 $2.500000000e-01, v18;
	v16 =	vadd.f32 v19, v19;
	vm5 =	vmand vm6, vm5  }
0x9d: {  	s10 =	sand.u32 $0x3, s30;
	[tilespmem:s0+$0x9880] =	vst v9;
	vm6 =	vlt.f32 v17, $5.000000070e-02;
	v9 =	vadd.f32 v22, v22;
	v10 =	vmul.f32 $2.500000000e-01, v10  }
0x9e: {  	s4 =	sshll.u32 s10, $0x5;
	[tilespmem:s0+$0x9800] =	vst v11;
	v11 =	vsel vm4, v20, v14;
	v20 =	vld [tilespmem:s26+$0x280];
	v21 =	vsub.f32 v23, v25;
	vm5 =	vmand vm5, vm6  }
0x9f: {  	s0 =	sadd.s32 $0x100, s4;
	v17 =	vld [tilespmem:s26+$0x200];
	v16 =	vadd.f32 v23, v16;
	v9 =	vadd.f32 v9, v25;
	v10 =	vsel vm5, v10, v24  }
0xa0: {  	s8 =	sadd.s32 $0x10, s0;
	v14 =	vsel vm4, v18, v15;
	v18 =	vld [tilespmem:s25+$0x200];
	v12 =	vsel vm5, v12, v13;
	[tilespmem:s25+$0x9600] =	vst v10;
	v10 =	vsub.f32 v19, v23  }
0xa1: {  	s28 =	sor.u32 $0x380, s8;
	[tilespmem:s25+$0x9680] =	vst v12;
	v12 =	vand.u32 $0x7FFFFFFF, v21;
	v16 =	vadd.f32 v25, v16;
	v9 =	vadd.f32 v9, v23;
	v19 =	vld [tilespmem:s25+$0x280]  }
0xa2: {  	s29 =	sor.u32 $0x300, s8;
	v15 =	vsub.f32 v22, v25;
	vm4 =	vlt.f32 v12, $1.000000010e-01;
	v12 =	vld [tilespmem:s28+$0x0];
	v10 =	vand.u32 $0x7FFFFFFF, v10  }
0xa3: {  	v21 =	vld [tilespmem:s29+$0x0];
	v9 =	vadd.f32 $2.000000000e+00, v9;
	vm5 =	vlt.f32 v10, $5.000000070e-02;
	v10 =	vadd.f32 $2.000000000e+00, v16  }
0xa4: {  	v15 =	vand.u32 $0x7FFFFFFF, v15;
	v16 =	vadd.f32 v17, v17;
	vm4 =	vmand vm5, vm4  }
0xa5: {  	s6 =	sor.u32 s13, s31;
	vm5 =	vlt.f32 v15, $5.000000070e-02;
	v9 =	vmul.f32 $2.500000000e-01, v9;
	v10 =	vmul.f32 $2.500000000e-01, v10  }
0xa6: {  	v13 =	vld [tilespmem:s6+$0x0];
	v15 =	vadd.f32 v20, v16;
	vm4 =	vmand vm4, vm5;
	v16 =	vadd.f32 v18, v18  }
0xa7: {  	v17 =	vsub.f32 v17, v20;
	v22 =	vadd.f32 v12, v12;
	v10 =	vsel vm4, v10, v23  }
0xa8: {  	v9 =	vsel vm4, v9, v25;
	v12 =	vsub.f32 v12, v21;
	[tilespmem:s26+$0x9600] =	vst v10;
	v10 =	vadd.f32 v19, v16  }
0xa9: {  	s31 =	sor.u32 $0x380, s0;
	[tilespmem:s26+$0x9680] =	vst v9;
	v9 =	vand.u32 $0x7FFFFFFF, v17;
	v16 =	vsub.f32 v18, v19;
	v17 =	vadd.f32 v22, v21  }
0xaa: {  	s0 =	sor.u32 $0x300, s0;
	vm4 =	vlt.f32 v9, $5.000000070e-02;
	v9 =	vsub.f32 v19, v21;
	v18 =	vld [tilespmem:s31+$0x0];
	v10 =	vadd.f32 v21, v10  }
0xab: {  	v23 =	vadd.f32 v13, v13;
	v22 =	vld [tilespmem:s0+$0x0];
	v16 =	vand.u32 $0x7FFFFFFF, v16;
	v17 =	vadd.f32 v17, v19  }
0xac: {  	s10 =	sor.u32 s13, s21;
	v9 =	vand.u32 $0x7FFFFFFF, v9;
	vm5 =	vlt.f32 v16, $5.000000070e-02;
	v10 =	vadd.f32 $2.000000000e+00, v10  }
0xad: {  	v24 =	vld [tilespmem:s10+$0x0];
	vm6 =	vlt.f32 v9, $1.000000010e-01;
	v9 =	vand.u32 $0x7FFFFFFF, v12;
	v12 =	vadd.f32 $2.000000000e+00, v17  }
0xae: {  	vm5 =	vmand vm5, vm6;
	vm6 =	vlt.f32 v9, $5.000000070e-02;
	v10 =	vmul.f32 $2.500000000e-01, v10  }
0xaf: {  	s14 =	sor.u32 s13, s14;
	vm5 =	vmand vm5, vm6;
	v16 =	vadd.f32 v18, v18;
	v12 =	vmul.f32 $2.500000000e-01, v12  }
0xb0: {  	s13 =	sor.u32 s13, s20;
	v9 =	vld [tilespmem:s14+$0x0];
	v17 =	vsub.f32 v20, v22;
	v15 =	vadd.f32 v22, v15;
	v19 =	vsel vm5, v10, v19  }
0xb1: {  	s2 =	sadd.s32 $0x3C80, s23;
	v18 =	vsub.f32 v18, v22;
	v10 =	vld [tilespmem:s13+$0x0];
	v16 =	vadd.f32 v16, v22;
	v12 =	vsel vm5, v12, v21;
	[tilespmem:s25+$0x9700] =	vst v19  }
0xb2: {  	s21 =	sor.u32 s22, s2;
	v17 =	vand.u32 $0x7FFFFFFF, v17;
	v15 =	vadd.f32 $2.000000000e+00, v15;
	s13 =	sadd.s32 $0x3C00, s23;
	[tilespmem:s25+$0x9780] =	vst v12;
	v12 =	vadd.f32 v24, v24  }
0xb3: {  	s20 =	sadd.s32 $0x3D80, s23;
	vm5 =	vlt.f32 v17, $1.000000010e-01;
	v17 =	vand.u32 $0x7FFFFFFF, v18;
	s4 =	sor.u32 s22, s13;
	v18 =	vadd.f32 v16, v20;
	v16 =	vld [tilespmem:s21+$0x0]  }
0xb4: {  	s8 =	sor.u32 s22, s20;
	vm4 =	vmand vm4, vm5;
	vm5 =	vlt.f32 v17, $5.000000070e-02;
	v15 =	vmul.f32 $2.500000000e-01, v15;
	v17 =	vld [tilespmem:s4+$0x0]  }
0xb5: {  	s6 =	sadd.s32 $0x3D00, s23;
	v23 =	vadd.f32 v9, v23;
	v21 =	vld [tilespmem:s8+$0x0];
	vm4 =	vmand vm4, vm5;
	v19 =	vadd.f32 $2.000000000e+00, v18  }
0xb6: {  	s10 =	sor.u32 s22, s6;
	v13 =	vsub.f32 v13, v9;
	v15 =	vsel vm4, v15, v20;
	v12 =	vadd.f32 v12, v10  }
0xb7: {  	v18 =	vld [tilespmem:s10+$0x0];
	v20 =	vsub.f32 v9, v10;
	v23 =	vadd.f32 v10, v23;
	v19 =	vmul.f32 $2.500000000e-01, v19  }
0xb8: {  	v13 =	vand.u32 $0x7FFFFFFF, v13;
	v24 =	vsub.f32 v24, v10;
	v12 =	vadd.f32 v12, v9  }
0xb9: {  	[tilespmem:s26+$0x9700] =	vst v15;
	v23 =	vadd.f32 $2.000000000e+00, v23;
	v19 =	vsel vm4, v19, v22;
	v22 =	vadd.f32 v17, v17  }
0xba: {  	s13 =	sor.u32 s19, s13;
	v20 =	vand.u32 $0x7FFFFFFF, v20;
	v15 =	vadd.f32 v21, v21;
	v27 =	vsub.f32 v17, v16;
	[tilespmem:s26+$0x9780] =	vst v19  }
0xbb: {  	s20 =	sor.u32 s19, s20;
	vm4 =	vlt.f32 v20, $1.000000010e-01;
	v12 =	vadd.f32 $2.000000000e+00, v12;
	v22 =	vadd.f32 v16, v22;
	v20 =	vld [tilespmem:s13+$0x0]  }
0xbc: {  	s2 =	sor.u32 s19, s2;
	vm5 =	vlt.f32 v13, $5.000000070e-02;
	v21 =	vsub.f32 v21, v18;
	v26 =	vadd.f32 v15, v18;
	v19 =	vld [tilespmem:s20+$0x0]  }
0xbd: {  	s21 =	sor.u32 s19, s6;
	v13 =	vand.u32 $0x7FFFFFFF, v24;
	v25 =	vsub.f32 v16, v18;
	v15 =	vld [tilespmem:s2+$0x0];
	v28 =	vadd.f32 v18, v22  }
0xbe: {  	[tilespmem:s12+$0x9600] =	vst v11;
	v11 =	vmul.f32 $2.500000000e-01, v23;
	v24 =	vand.u32 $0x7FFFFFFF, v27;
	v17 =	vld [tilespmem:s21+$0x0];
	v22 =	vadd.f32 v26, v16  }
0xbf: {  	s12 =	simm.s32 $0x40;
	[tilespmem:s11+$0x9600] =	vst v14;
	s11 =	simm.s32 $0x2;
	v21 =	vand.u32 $0x7FFFFFFF, v21;
	v23 =	vand.u32 $0x7FFFFFFF, v25;
	v14 =	vadd.f32 $2.000000000e+00, v28  }
.LBB2_2:
0xc0: {  	s4 =	sand.u32 $0x60, s12;
	vm6 =	vlt.f32 v23, $1.000000010e-01;
	vm7 =	vlt.f32 v24, $5.000000070e-02;
	v22 =	vadd.f32 $2.000000000e+00, v22;
	s24 =	sadd.s32 $0x100, s24  }
0xc1: {  	s6 =	sand.u32 $0x3C00, s24;
	s8 =	sor.u32 $0x10, s4;
	vm6 =	vmand vm7, vm6;
	vm7 =	vlt.f32 v21, $5.000000070e-02;
	v21 =	vmul.f32 $2.500000000e-01, v14  }
0xc2: {  	v23 =	vadd.f32 v20, v20;
	s14 =	sor.u32 s4, s6;
	s10 =	sor.u32 s6, s8;
	vm6 =	vmand vm6, vm7;
	v22 =	vmul.f32 $2.500000000e-01, v22  }
0xc3: {  	v25 =	vadd.f32 v19, v19;
	v14 =	vld [tilespmem:s10+$0x100];
	v24 =	vsub.f32 v15, v17;
	v16 =	vsel vm6, v21, v16  }
0xc4: {  	s2 =	sadd.s32 $0x3E80, s23;
	v20 =	vsub.f32 v20, v15;
	v23 =	vadd.f32 v15, v23;
	v21 =	vld [tilespmem:s10+$0x0];
	v18 =	vsel vm6, v22, v18;
	[tilespmem:s25+$0x9800] =	vst v16  }
0xc5: {  	s21 =	sadd.s32 $0x3E00, s23;
	s13 =	sor.u32 s19, s2;
	s2 =	sor.u32 s22, s2;
	v19 =	vsub.f32 v19, v17;
	v22 =	vld [tilespmem:s10+$0x180];
	v16 =	vand.u32 $0x7FFFFFFF, v24;
	v24 =	vadd.f32 v25, v17;
	[tilespmem:s25+$0x9880] =	vst v18  }
0xc6: {  	s20 =	sor.u32 s19, s21;
	s21 =	sor.u32 s22, s21;
	v18 =	vadd.f32 v17, v23;
	s25 =	sadd.s32 $0x3F80, s23;
	vm6 =	vlt.f32 v16, $1.000000010e-01;
	v16 =	vand.u32 $0x7FFFFFFF, v20;
	v20 =	vld [tilespmem:s2+$0x0]  }
0xc7: {  	s23 =	sadd.s32 $0x3F00, s23;
	s2 =	sor.u32 s19, s25;
	s25 =	sor.u32 s22, s25;
	vm7 =	vlt.f32 v16, $5.000000070e-02;
	v16 =	vand.u32 $0x7FFFFFFF, v19;
	v19 =	vadd.f32 v24, v15;
	v23 =	vld [tilespmem:s21+$0x0]  }
0xc8: {  	s22 =	sor.u32 s22, s23;
	s21 =	sor.u32 s19, s23;
	s19 =	smov.u32 s4;
	vm6 =	vmand vm7, vm6;
	vm7 =	vlt.f32 v16, $5.000000070e-02;
	v16 =	vadd.f32 $2.000000000e+00, v18;
	v18 =	vld [tilespmem:s25+$0x0]  }
0xc9: {  	v12 =	vmul.f32 $2.500000000e-01, v12;
	s23 =	smov.u32 s6;
	s25 =	smov.u32 s10;
	vm6 =	vmand vm6, vm7;
	v19 =	vadd.f32 $2.000000000e+00, v19;
	v24 =	vld [tilespmem:s22+$0x0];
	s22 =	smov.u32 s8  }
0xca: {  	vm4 =	vmand vm5, vm4;
	vm5 =	vlt.f32 v13, $5.000000070e-02;
	v25 =	vld [tilespmem:s14+$0x0];
	v26 =	vmul.f32 $2.500000000e-01, v16  }
0xcb: {  	vm4 =	vmand vm4, vm5;
	v27 =	vld [tilespmem:s14+$0x180];
	v13 =	vmul.f32 $2.500000000e-01, v19  }
0xcc: {  	v19 =	vsub.f32 v22, v14;
	v16 =	vld [tilespmem:s14+$0x80];
	v26 =	vsel vm6, v26, v15;
	v28 =	vadd.f32 v23, v23  }
0xcd: {  	v29 =	vadd.f32 v21, v21;
	v15 =	vld [tilespmem:s14+$0x100];
	v13 =	vsel vm6, v13, v17;
	[tilespmem:s26+$0x9800] =	vst v26;
	v17 =	vadd.f32 v18, v18  }
0xce: {  	v9 =	vsel vm4, v11, v9;
	v26 =	vld [tilespmem:s14+$0x200];
	[tilespmem:s26+$0x9880] =	vst v13;
	v13 =	vsub.f32 v18, v24;
	v18 =	vadd.f32 v20, v28;
	s26 =	smov.u32 s14  }
0xcf: {  	v10 =	vsel vm4, v12, v10;
	v28 =	vsub.f32 v20, v24;
	v11 =	vld [tilespmem:s26+$0x280];
	v17 =	vadd.f32 v17, v24;
	[tilespmem:s18+$0x9600] =	vst v9;
	s18 =	smov.u32 s0  }
0xd0: {  	s11 =	sadd.s32 $0x2, s11;
	v9 =	vsub.f32 v23, v20;
	v30 =	vld [tilespmem:s25+$0x80];
	v18 =	vadd.f32 v24, v18;
	[tilespmem:s17+$0x9600] =	vst v10;
	s17 =	smov.u32 s31  }
0xd1: {  	p0 =	slt.u32 s11, $0x76;
	v22 =	vadd.f32 v22, v22;
	v23 =	vand.u32 $0x7FFFFFFF, v13;
	v12 =	vld [tilespmem:s20+$0x0];
	v10 =	vadd.f32 v17, v20  }
0xd2: {  	v17 =	vand.u32 $0x7FFFFFFF, v28;
	v28 =	vand.u32 $0x7FFFFFFF, v9;
	v13 =	vld [tilespmem:s2+$0x0];
	v18 =	vadd.f32 $2.000000000e+00, v18  }
0xd3: {  	vm4 =	vlt.f32 v17, $1.000000010e-01;
	vm5 =	vlt.f32 v28, $5.000000070e-02;
	v9 =	vld [tilespmem:s13+$0x0];
	v17 =	vadd.f32 $2.000000000e+00, v10  }
0xd4: {  	vm4 =	vmand vm5, vm4;
	vm5 =	vlt.f32 v23, $5.000000070e-02;
	v10 =	vld [tilespmem:s21+$0x0];
	v18 =	vmul.f32 $2.500000000e-01, v18  }
0xd5: {  	vm4 =	vmand vm4, vm5;
	v23 =	vadd.f32 v30, v29;
	v17 =	vmul.f32 $2.500000000e-01, v17  }
0xd6: {  	v22 =	vadd.f32 v22, v14;
	v28 =	vsub.f32 v30, v14;
	v18 =	vsel vm4, v18, v20  }
0xd7: {  	v20 =	vsub.f32 v21, v30;
	v21 =	vadd.f32 v14, v23;
	v17 =	vsel vm4, v17, v24;
	[tilespmem:s29+$0x9600] =	vst v18  }
0xd8: {  	v19 =	vand.u32 $0x7FFFFFFF, v19;
	v22 =	vadd.f32 v22, v30;
	v18 =	vadd.f32 v25, v25;
	[tilespmem:s28+$0x9600] =	vst v17  }
0xd9: {  	v17 =	vand.u32 $0x7FFFFFFF, v28;
	v20 =	vand.u32 $0x7FFFFFFF, v20;
	v21 =	vadd.f32 $2.000000000e+00, v21  }
0xda: {  	s30 =	sadd.s32 $0x1, s30;
	vm4 =	vlt.f32 v17, $1.000000010e-01;
	vm5 =	vlt.f32 v20, $5.000000070e-02;
	v17 =	vadd.f32 $2.000000000e+00, v22  }
0xdb: {  	s0 =	sand.u32 $0x3, s30;
	vm4 =	vmand vm5, vm4;
	vm5 =	vlt.f32 v19, $5.000000070e-02;
	v19 =	vmul.f32 $2.500000000e-01, v21  }
0xdc: {  	s0 =	sshll.u32 s0, $0x5;
	v20 =	vadd.f32 v27, v27;
	vm4 =	vmand vm4, vm5;
	v17 =	vmul.f32 $2.500000000e-01, v17  }
0xdd: {  	s2 =	sadd.s32 s0, s24;
	v18 =	vadd.f32 v16, v18;
	v21 =	vsub.f32 v16, v15;
	v19 =	vsel vm4, v19, v30  }
0xde: {  	s0 =	sor.u32 $0x300, s2;
	s31 =	sor.u32 $0x380, s2;
	s2 =	sadd.s32 $0x10, s2;
	v22 =	vsub.f32 v25, v16;
	v20 =	vadd.f32 v20, v15;
	v14 =	vsel vm4, v17, v14;
	[tilespmem:s25+$0x9600] =	vst v19  }
0xdf: {  	s28 =	sor.u32 $0x380, s2;
	v18 =	vadd.f32 v15, v18;
	v17 =	vand.u32 $0x7FFFFFFF, v21;
	v19 =	vsub.f32 v27, v15;
	[tilespmem:s25+$0x9680] =	vst v14;
	v14 =	vld [tilespmem:s25+$0x200]  }
0xe0: {  	v20 =	vadd.f32 v20, v16;
	vm4 =	vlt.f32 v17, $1.000000010e-01;
	v17 =	vand.u32 $0x7FFFFFFF, v22;
	v21 =	vld [tilespmem:s28+$0x0]  }
0xe1: {  	s29 =	sor.u32 $0x300, s2;
	vm5 =	vlt.f32 v17, $5.000000070e-02;
	v17 =	vadd.f32 $2.000000000e+00, v18;
	v18 =	vadd.f32 v26, v26;
	v22 =	vld [tilespmem:s25+$0x280]  }
0xe2: {  	v20 =	vadd.f32 $2.000000000e+00, v20;
	vm4 =	vmand vm5, vm4;
	v19 =	vand.u32 $0x7FFFFFFF, v19;
	v23 =	vld [tilespmem:s29+$0x0]  }
0xe3: {  	vm5 =	vlt.f32 v19, $5.000000070e-02;
	v17 =	vmul.f32 $2.500000000e-01, v17;
	v18 =	vadd.f32 v11, v18  }
0xe4: {  	v19 =	vmul.f32 $2.500000000e-01, v20;
	vm4 =	vmand vm4, vm5;
	v20 =	vadd.f32 v14, v14  }
0xe5: {  	v16 =	vsel vm4, v17, v16;
	v17 =	vsub.f32 v26, v11;
	v24 =	vadd.f32 v21, v21  }
0xe6: {  	v15 =	vsel vm4, v19, v15;
	v19 =	vadd.f32 v12, v12;
	[tilespmem:s26+$0x9600] =	vst v16;
	v16 =	vadd.f32 v22, v20  }
0xe7: {  	v14 =	vsub.f32 v14, v22;
	[tilespmem:s26+$0x9680] =	vst v15;
	v15 =	vand.u32 $0x7FFFFFFF, v17;
	v17 =	vadd.f32 v24, v23  }
0xe8: {  	v20 =	vld [tilespmem:s31+$0x0];
	vm4 =	vlt.f32 v15, $5.000000070e-02;
	v15 =	vsub.f32 v22, v23;
	v16 =	vadd.f32 v23, v16  }
0xe9: {  	v21 =	vsub.f32 v21, v23;
	v14 =	vand.u32 $0x7FFFFFFF, v14;
	v24 =	vld [tilespmem:s0+$0x0];
	v17 =	vadd.f32 v17, v22  }
0xea: {  	vm5 =	vlt.f32 v14, $5.000000070e-02;
	v15 =	vand.u32 $0x7FFFFFFF, v15;
	v14 =	vadd.f32 $2.000000000e+00, v16  }
0xeb: {  	vm6 =	vlt.f32 v15, $1.000000010e-01;
	v15 =	vand.u32 $0x7FFFFFFF, v21;
	v16 =	vadd.f32 $2.000000000e+00, v17  }
0xec: {  	vm5 =	vmand vm5, vm6;
	vm6 =	vlt.f32 v15, $5.000000070e-02;
	v14 =	vmul.f32 $2.500000000e-01, v14  }
0xed: {  	v15 =	vadd.f32 v20, v20;
	vm5 =	vmand vm5, vm6;
	v16 =	vmul.f32 $2.500000000e-01, v16  }
0xee: {  	v17 =	vsub.f32 v11, v24;
	v18 =	vadd.f32 v24, v18;
	v14 =	vsel vm5, v14, v22  }
0xef: {  	s2 =	sadd.s32 $0x3C80, s23;
	v20 =	vsub.f32 v20, v24;
	v15 =	vadd.f32 v15, v24;
	v16 =	vsel vm5, v16, v23;
	[tilespmem:s25+$0x9700] =	vst v14  }
0xf0: {  	s4 =	sadd.s32 $0x3C00, s23;
	s6 =	sor.u32 s19, s2;
	s2 =	sor.u32 s22, s2;
	v21 =	vadd.f32 v13, v13;
	v14 =	vand.u32 $0x7FFFFFFF, v17;
	v17 =	vadd.f32 $2.000000000e+00, v18;
	[tilespmem:s25+$0x9780] =	vst v16  }
0xf1: {  	s10 =	sadd.s32 $0x3D80, s23;
	s8 =	sor.u32 s19, s4;
	s4 =	sor.u32 s22, s4;
	vm5 =	vlt.f32 v14, $1.000000010e-01;
	v14 =	vand.u32 $0x7FFFFFFF, v20;
	v15 =	vadd.f32 v15, v11;
	v16 =	vld [tilespmem:s2+$0x0]  }
0xf2: {  	s13 =	sor.u32 s19, s10;
	s2 =	sadd.s32 $0x3D00, s23;
	vm4 =	vmand vm4, vm5;
	vm5 =	vlt.f32 v14, $5.000000070e-02;
	v14 =	vmul.f32 $2.500000000e-01, v17;
	v17 =	vld [tilespmem:s4+$0x0];
	s4 =	sor.u32 s22, s10  }
0xf3: {  	v19 =	vadd.f32 v9, v19;
	s10 =	sor.u32 s19, s2;
	s2 =	sor.u32 s22, s2;
	vm4 =	vmand vm4, vm5;
	v15 =	vadd.f32 $2.000000000e+00, v15;
	v22 =	vld [tilespmem:s4+$0x0]  }
0xf4: {  	v20 =	vadd.f32 v21, v10;
	v11 =	vsel vm4, v14, v11;
	v18 =	vld [tilespmem:s2+$0x0];
	v14 =	vsub.f32 v9, v10  }
0xf5: {  	v15 =	vmul.f32 $2.500000000e-01, v15;
	[tilespmem:s26+$0x9700] =	vst v11;
	v11 =	vsub.f32 v12, v9;
	v12 =	vadd.f32 v10, v19  }
0xf6: {  	v13 =	vsub.f32 v13, v10;
	v19 =	vadd.f32 v20, v9;
	v14 =	vand.u32 $0x7FFFFFFF, v14  }
0xf7: {  	v15 =	vsel vm4, v15, v24;
	v21 =	vadd.f32 v17, v17;
	v23 =	vadd.f32 $2.000000000e+00, v12  }
0xf8: {  	v11 =	vand.u32 $0x7FFFFFFF, v11;
	v12 =	vadd.f32 $2.000000000e+00, v19;
	[tilespmem:s26+$0x9780] =	vst v15;
	v15 =	vadd.f32 v22, v22  }
.Ltmp0:
0xf9: {  	vm4 =	vlt.f32 v14, $1.000000010e-01;
	v20 =	vld [tilespmem:s8+$0x0];
	v22 =	vsub.f32 v22, v18;
	v21 =	vadd.f32 v16, v21;
	(pc) =	sbr.rel @p0 .LBB2_2-.Ltmp0, $4  }
0xfa: {  	vm5 =	vlt.f32 v11, $5.000000070e-02;
	v14 =	vsub.f32 v16, v18;
	v19 =	vld [tilespmem:s13+$0x0];
	v24 =	vadd.f32 v15, v18  }
0xfb: {  	v13 =	vand.u32 $0x7FFFFFFF, v13;
	v25 =	vsub.f32 v17, v16;
	v15 =	vld [tilespmem:s6+$0x0];
	v26 =	vadd.f32 v18, v21  }
0xfc: {  	v11 =	vmul.f32 $2.500000000e-01, v23;
	v21 =	vand.u32 $0x7FFFFFFF, v22;
	v17 =	vld [tilespmem:s10+$0x0];
	v22 =	vadd.f32 v24, v16  }
0xfd: {  	s12 =	sadd.s32 $0x20, s12;
	v23 =	vand.u32 $0x7FFFFFFF, v14;
	v24 =	vand.u32 $0x7FFFFFFF, v25;
	v14 =	vadd.f32 $2.000000000e+00, v26  }
0xfe: {  	vm6 =	vlt.f32 v23, $1.000000010e-01;
	vm7 =	vlt.f32 v24, $5.000000070e-02  }
0xff: {  	v22 =	vadd.f32 $2.000000000e+00, v22;
	vm15 =	vlt.f32 v21, $5.000000070e-02;
	v21 =	vadd.f32 v20, v20  }
0x100: {  	vm6 =	vmand vm7, vm6;
	v14 =	vmul.f32 $2.500000000e-01, v14;
	v23 =	vadd.f32 v19, v19  }
0x101: {  	vm6 =	vmand vm6, vm15;
	v22 =	vmul.f32 $2.500000000e-01, v22;
	v20 =	vsub.f32 v20, v15  }
0x102: {  	v62 =	vsub.f32 v15, v17;
	v14 =	vsel vm6, v14, v16;
	v16 =	vadd.f32 v15, v21  }
0x103: {  	v21 =	vadd.f32 v23, v17;
	v19 =	vsub.f32 v19, v17  }
0x104: {  	v18 =	vsel vm6, v22, v18;
	[tilespmem:s25+$0x9800] =	vst v14;
	v14 =	vand.u32 $0x7FFFFFFF, v62;
	v16 =	vadd.f32 v17, v16  }
0x105: {  	s2 =	sadd.s32 $0x3E80, s23;
	[tilespmem:s25+$0x9880] =	vst v18;
	v18 =	vadd.f32 v21, v15;
	vm9 =	vlt.f32 v14, $1.000000010e-01;
	v14 =	vand.u32 $0x7FFFFFFF, v20  }
0x106: {  	s8 =	sadd.s32 $0x3F80, s23;
	s6 =	sor.u32 s22, s2;
	vm10 =	vlt.f32 v14, $5.000000070e-02;
	v14 =	vadd.f32 $2.000000000e+00, v16  }
0x107: {  	s4 =	sadd.s32 $0x3E00, s23;
	s24 =	sor.u32 s22, s8;
	v20 =	vld [tilespmem:s6+$0x0];
	v16 =	vand.u32 $0x7FFFFFFF, v19;
	v18 =	vadd.f32 $2.000000000e+00, v18  }
0x108: {  	s10 =	sadd.s32 $0x3F00, s23;
	s21 =	sor.u32 s22, s4;
	v21 =	vld [tilespmem:s24+$0x0];
	vm6 =	vmand vm10, vm9;
	vm11 =	vlt.f32 v16, $5.000000070e-02;
	v14 =	vmul.f32 $2.500000000e-01, v14  }
0x109: {  	s25 =	sor.u32 s22, s10;
	v19 =	vld [tilespmem:s21+$0x0];
	vm6 =	vmand vm6, vm11;
	v18 =	vmul.f32 $2.500000000e-01, v18  }
0x10a: {  	v16 =	vld [tilespmem:s25+$0x0];
	v14 =	vsel vm6, v14, v15  }
0x10b: {  	v15 =	vsel vm6, v18, v17;
	[tilespmem:s26+$0x9800] =	vst v14  }
0x10c: {  	v12 =	vmul.f32 $2.500000000e-01, v12;
	vm4 =	vmand vm5, vm4;
	vm5 =	vlt.f32 v13, $5.000000070e-02;
	s4 =	sor.u32 s19, s4;
	[tilespmem:s26+$0x9880] =	vst v15  }
0x10d: {  	vm4 =	vmand vm4, vm5;
	v13 =	vadd.f32 v21, v21;
	s26 =	sor.u32 s19, s8;
	v15 =	vld [tilespmem:s4+$0x0]  }
0x10e: {  	s2 =	sor.u32 s19, s2;
	v10 =	vsel vm4, v12, v10;
	v14 =	vadd.f32 v19, v19;
	v12 =	vsub.f32 v19, v20;
	v17 =	vld [tilespmem:s26+$0x0]  }
0x10f: {  	s30 =	sor.u32 s19, s10;
	v18 =	vsub.f32 v21, v16;
	v21 =	vld [tilespmem:s2+$0x0];
	v13 =	vadd.f32 v13, v16  }
0x110: {  	v9 =	vsel vm4, v11, v9;
	v11 =	vsub.f32 v20, v16;
	v19 =	vld [tilespmem:s30+$0x0];
	v14 =	vadd.f32 v20, v14  }
0x111: {  	v12 =	vand.u32 $0x7FFFFFFF, v12;
	v13 =	vadd.f32 v13, v20  }
0x112: {  	v18 =	vand.u32 $0x7FFFFFFF, v18;
	v11 =	vand.u32 $0x7FFFFFFF, v11;
	v14 =	vadd.f32 v16, v14  }
0x113: {  	vm5 =	vlt.f32 v12, $5.000000070e-02;
	vm4 =	vlt.f32 v11, $1.000000010e-01;
	v13 =	vadd.f32 $2.000000000e+00, v13  }
0x114: {  	vm4 =	vmand vm5, vm4;
	v14 =	vadd.f32 $2.000000000e+00, v14;
	v11 =	vadd.f32 v15, v15  }
0x115: {  	vm5 =	vlt.f32 v18, $5.000000070e-02;
	v12 =	vadd.f32 v17, v17;
	v18 =	vsub.f32 v21, v19  }
0x116: {  	v15 =	vsub.f32 v15, v21;
	v11 =	vadd.f32 v21, v11  }
0x117: {  	vm4 =	vmand vm4, vm5;
	v17 =	vsub.f32 v17, v19;
	v12 =	vadd.f32 v12, v19  }
0x118: {  	v14 =	vmul.f32 $2.500000000e-01, v14;
	v18 =	vand.u32 $0x7FFFFFFF, v18;
	v11 =	vadd.f32 v19, v11  }
0x119: {  	v13 =	vmul.f32 $2.500000000e-01, v13;
	vm5 =	vlt.f32 v18, $1.000000010e-01;
	v12 =	vadd.f32 v12, v21  }
0x11a: {  	[tilespmem:s18+$0x9600] =	vst v9;
	v14 =	vsel vm4, v14, v20;
	v9 =	vadd.f32 $2.000000000e+00, v11;
	v11 =	vand.u32 $0x7FFFFFFF, v15  }
0x11b: {  	v12 =	vadd.f32 $2.000000000e+00, v12;
	vm12 =	vlt.f32 v11, $5.000000070e-02;
	v11 =	vand.u32 $0x7FFFFFFF, v17  }
0x11c: {  	[tilespmem:s17+$0x9600] =	vst v10;
	v9 =	vmul.f32 $2.500000000e-01, v9;
	vm5 =	vmand vm12, vm5;
	vm13 =	vlt.f32 v11, $5.000000070e-02  }
0x11d: {  	v10 =	vsel vm4, v13, v16;
	[tilespmem:s29+$0x9600] =	vst v14;
	v11 =	vmul.f32 $2.500000000e-01, v12;
	vm4 =	vmand vm5, vm13  }
0x11e: {  	[tilespmem:s28+$0x9600] =	vst v10;
	v9 =	vsel vm4, v9, v21  }
0x11f: {  	v10 =	vsel vm4, v11, v19;
	[tilespmem:s0+$0x9600] =	vst v9  }
0x120: {  	s6 =	simm.s32 $0x3;
	[tilespmem:s31+$0x9600] =	vst v10  }
0x121: {  	_ =	swait.ge [sflag:s6], $0x1E00  }
0x122: {  	[sflag:s6] =	ssyncset.done $0x0  }
0x123: {  	[sflag:s6] =	ssyncadd.s32 $0xFFFFE200  }
0x124: {  	v9 =	vld.msk [tilespmem:$0xE200], $0xff;
	_ =	sdelay $0x4  }
0x125: {  	v10 =	vshrl.u32 v9, $0x3  }
0x126: {  	v10 =	vmul.u32 $0x78, v10  }
0x127: {  	v9 =	vand.u32 $0x7, v9  }
0x128: {  	v9 =	vor.u32 v9, v10  }
0x129: {  	v9 =	vperm.xlane v9, v1;
	_ =	sdelay $0x1  }
0x12a: {  	v9 =	vadd.s32 v2, v9;
	_ =	sdelay $0x3  }
0x12b: {  	s10 =	simm.s32 $0x9600;
	s8 =	simm.s32 $0x0;
	s18 =	rddreg [dreg:$0x0]  }
0x12c: {  	[hbm4b:s18+s8] =	stream.indirect_vreg.scatter [tilespmem:s10], [sflag:$0x4], $0x80, v9, vm0, $0xb8;
	[tilespmem:$0xE300] =	vst v63  }
0x12d: {  	s11 =	simm.s32 $0x9E00;
	s19 =	rddreg [dreg:$0x3]  }
0x12e: {  	[hbm4b:s19+s8] =	stream.indirect_vreg.scatter [tilespmem:s11], [sflag:$0x4], $0x80, v9, vm0, $0xb8;
	[tilespmem:$0xE300] =	vst v63  }
0x12f: {  	s12 =	simm.s32 $0xA600  }
0x130: {  	[hbm4b:s5+s8] =	stream.indirect_vreg.scatter [tilespmem:s12], [sflag:$0x4], $0x80, v9, vm0, $0xb8;
	[tilespmem:$0xE300] =	vst v63  }
0x131: {  	s13 =	simm.s32 $0xAE00;
	s20 =	rddreg [dreg:$0x4]  }
0x132: {  	[hbm4b:s20+s8] =	stream.indirect_vreg.scatter [tilespmem:s13], [sflag:$0x4], $0x80, v9, vm0, $0xb8;
	[tilespmem:$0xE300] =	vst v63  }
0x133: {  	s14 =	simm.s32 $0xB600;
	s17 =	simm.s32 $0xBE00;
	s24 =	simm.s32 $0x0  }
0x134: {  	[hbm4b:s7+s8] =	stream.indirect_vreg.scatter [tilespmem:s14], [sflag:$0x4], $0x80, v9, vm0, $0xb8;
	[tilespmem:$0xE300] =	vst v63  }
0x135: {  	s25 =	sand.u32 $0x3FFFFE00, s24;
	s21 =	rddreg [dreg:$0x5];
	s13 =	sand.u32 $0x60, s8  }
0x136: {  	[hbm4b:s21+s8] =	stream.indirect_vreg.scatter [tilespmem:s17], [sflag:$0x4], $0x80, v9, vm0, $0xb8;
	[tilespmem:$0xE300] =	vst v63  }
0x137: {  	s22 =	simm.s32 $0xC600;
	s0 =	sadd.s32 $0x7800, s25;
	s14 =	sor.u32 $0x10, s13  }
0x138: {  	[hbm4b:s9+s8] =	stream.indirect_vreg.scatter [tilespmem:s22], [sflag:$0x4], $0x80, v9, vm0, $0xb8;
	[tilespmem:$0xE300] =	vst v63  }
0x139: {  	s23 =	simm.s32 $0xCE00;
	s26 =	sor.u32 s14, s0;
	s22 =	rddreg [dreg:$0x6]  }
0x13a: {  	[hbm4b:s22+s8] =	stream.indirect_vreg.scatter [tilespmem:s23], [sflag:$0x4], $0x80, v9, vm1, $0xb8;
	[tilespmem:$0xE300] =	vst v63  }
0x13b: {  	v9 =	vld [tilespmem:s26+$0x180]  }
0x13c: {  	v12 =	vld [tilespmem:s26+$0x100]  }
0x13d: {  	v14 =	vld [tilespmem:s26+$0x80]  }
0x13e: {  	s0 =	sor.u32 s13, s0;
	v10 =	vld [tilespmem:s26+$0x0]  }
0x13f: {  	v11 =	vld [tilespmem:s0+$0x0]  }
0x140: {  	v13 =	vadd.f32 v9, v9;
	_ =	sdelay $0x1  }
0x141: {  	v13 =	vadd.f32 v13, v12  }
0x142: {  	v17 =	vld [tilespmem:s0+$0x80];
	v16 =	vsub.f32 v14, v12;
	v18 =	vsub.f32 v10, v14  }
0x143: {  	v23 =	vld [tilespmem:s0+$0x100];
	v19 =	vadd.f32 v11, v11;
	v13 =	vadd.f32 v13, v14  }
0x144: {  	s28 =	simm.s32 $0x80;
	v9 =	vsub.f32 v9, v12;
	v10 =	vadd.f32 v10, v10  }
0x145: {  	s2 =	sand.u32 $0x3FFFFE00, s28;
	s12 =	simm.s32 $0x20;
	v15 =	vld [tilespmem:s0+$0x180];
	v16 =	vand.u32 $0x7FFFFFFF, v16;
	v18 =	vand.u32 $0x7FFFFFFF, v18;
	v13 =	vadd.f32 $2.000000000e+00, v13  }
0x146: {  	s0 =	sand.u32 $0x60, s12;
	v9 =	vand.u32 $0x7FFFFFFF, v9;
	vm4 =	vlt.f32 v16, $1.000000010e-01;
	vm5 =	vlt.f32 v18, $5.000000070e-02  }
0x147: {  	s2 =	sadd.s32 $0x7800, s2;
	s11 =	sor.u32 $0x10, s0;
	vm4 =	vmand vm5, vm4;
	vm5 =	vlt.f32 v9, $5.000000070e-02;
	v9 =	vmul.f32 $2.500000000e-01, v13  }
0x148: {  	s29 =	sor.u32 s11, s2;
	v18 =	vsub.f32 v17, v23;
	vm4 =	vmand vm4, vm5  }
0x149: {  	v22 =	vld [tilespmem:s29+$0x180];
	v13 =	vadd.f32 v17, v19;
	v19 =	vsel vm4, v9, v12;
	v9 =	vadd.f32 v14, v10  }
0x14a: {  	v20 =	vsub.f32 v11, v17;
	v16 =	vadd.f32 v15, v15  }
0x14b: {  	v11 =	vld [tilespmem:s29+$0x100];
	v18 =	vand.u32 $0x7FFFFFFF, v18;
	v12 =	vadd.f32 v12, v9  }
0x14c: {  	s2 =	sor.u32 s0, s2;
	v16 =	vadd.f32 v16, v23;
	vm5 =	vlt.f32 v18, $1.000000010e-01;
	v18 =	vand.u32 $0x7FFFFFFF, v20  }
0x14d: {  	vm14 =	vlt.f32 v18, $5.000000070e-02;
	v13 =	vadd.f32 v23, v13;
	v10 =	vld [tilespmem:s2+$0x0];
	v18 =	vadd.f32 $2.000000000e+00, v12  }
0x14e: {  	s30 =	simm.s32 $0x0;
	v15 =	vsub.f32 v15, v23;
	v21 =	vadd.f32 v22, v22;
	v9 =	vld [tilespmem:s29+$0x80]  }
0x14f: {  	s4 =	sand.u32 $0x3FFFFF00, s30;
	v16 =	vadd.f32 v16, v17;
	v20 =	vadd.f32 $2.000000000e+00, v13;
	v13 =	vld [tilespmem:s29+$0x0];
	v18 =	vmul.f32 $2.500000000e-01, v18  }
0x150: {  	s4 =	sadd.s32 $0xD200, s4;
	v15 =	vand.u32 $0x7FFFFFFF, v15;
	v21 =	vadd.f32 v21, v11;
	v12 =	vld [tilespmem:s2+$0x180]  }
0x151: {  	s31 =	sor.u32 s14, s4;
	vm15 =	vlt.f32 v15, $5.000000070e-02;
	v16 =	vadd.f32 $2.000000000e+00, v16;
	v15 =	vsel vm4, v18, v14;
	v14 =	vld [tilespmem:s2+$0x80]  }
0x152: {  	v22 =	vsub.f32 v22, v11;
	vm5 =	vmand vm14, vm5;
	v63 =	vmul.f32 $2.500000000e-01, v20;
	[tilespmem:s31+$0x0] =	vst v15;
	v15 =	vld [tilespmem:s2+$0x100]  }
0x153: {  	vm5 =	vmand vm5, vm15;
	v25 =	vmul.f32 $2.500000000e-01, v16;
	[tilespmem:s31+$0x80] =	vst v19;
	v19 =	vsub.f32 v9, v11  }
0x154: {  	s13 =	sor.u32 s13, s4;
	v24 =	vsel vm5, v63, v17;
	v20 =	vsub.f32 v13, v9;
	v21 =	vadd.f32 v21, v9  }
0x155: {  	s14 =	simm.s32 $0x2;
	v16 =	vadd.f32 v10, v10;
	[tilespmem:s13+$0x0] =	vst v24;
	v18 =	vsel vm5, v25, v23;
	v17 =	vadd.f32 v12, v12;
	s2 =	simm.s32 $0x40  }
.LBB2_4:
0x156: {  	s14 =	sadd.s32 $0x2, s14;
	s2 =	sand.u32 $0x3FFFFF00, s2;
	v19 =	vand.u32 $0x7FFFFFFF, v19;
	v20 =	vand.u32 $0x7FFFFFFF, v20;
	v21 =	vadd.f32 $2.000000000e+00, v21;
	[tilespmem:s13+$0x80] =	vst v18;
	v18 =	vmovc v14  }
0x157: {  	s12 =	sadd.s32 $0x20, s12;
	s4 =	sshll.u32 s14, $0x6;
	vm4 =	vlt.f32 v19, $1.000000010e-01;
	vm5 =	vlt.f32 v20, $5.000000070e-02;
	v14 =	vand.u32 $0x7FFFFFFF, v22;
	v23 =	vmovc v15  }
0x158: {  	s6 =	sand.u32 $0x60, s12;
	s4 =	sand.u32 $0x3FFFFE00, s4;
	vm4 =	vmand vm5, vm4;
	vm5 =	vlt.f32 v14, $5.000000070e-02;
	v14 =	vmul.f32 $2.500000000e-01, v21  }
0x159: {  	v13 =	vadd.f32 v13, v13;
	v15 =	vadd.f32 v18, v16;
	s2 =	sadd.s32 $0xD200, s2;
	s8 =	sor.u32 $0x10, s6;
	s4 =	sadd.s32 $0x7800, s4;
	vm4 =	vmand vm4, vm5  }
0x15a: {  	v16 =	vsub.f32 v18, v23;
	v17 =	vadd.f32 v17, v23;
	s17 =	sor.u32 s11, s2;
	s10 =	sor.u32 s6, s4;
	s4 =	sor.u32 s8, s4;
	v14 =	vsel vm4, v14, v11  }
0x15b: {  	p0 =	slt.u32 s14, $0x76;
	s13 =	sor.u32 s0, s2;
	v13 =	vadd.f32 v9, v13;
	s0 =	smov.u32 s6;
	v15 =	vadd.f32 v23, v15;
	v22 =	vld [tilespmem:s4+$0x180];
	[tilespmem:s17+$0x80] =	vst v14  }
0x15c: {  	s11 =	smov.u32 s8;
	v17 =	vadd.f32 v17, v18;
	v14 =	vand.u32 $0x7FFFFFFF, v16;
	v16 =	vsub.f32 v10, v18;
	v10 =	vld [tilespmem:s10+$0x0]  }
0x15d: {  	v12 =	vsub.f32 v12, v23;
	vm5 =	vlt.f32 v14, $1.000000010e-01;
	v14 =	vadd.f32 v11, v13;
	v11 =	vld [tilespmem:s4+$0x100]  }
0x15e: {  	v15 =	vadd.f32 $2.000000000e+00, v15;
	v17 =	vadd.f32 $2.000000000e+00, v17;
	v16 =	vand.u32 $0x7FFFFFFF, v16;
	v20 =	vld [tilespmem:s4+$0x80]  }
0x15f: {  	v19 =	vand.u32 $0x7FFFFFFF, v12;
	vm6 =	vlt.f32 v16, $5.000000070e-02;
	v21 =	vadd.f32 $2.000000000e+00, v14;
	v13 =	vld [tilespmem:s4+$0x0]  }
0x160: {  	v25 =	vmul.f32 $2.500000000e-01, v15;
	v26 =	vmul.f32 $2.500000000e-01, v17;
	v12 =	vld [tilespmem:s10+$0x180];
	v24 =	vadd.f32 v22, v22  }
.Ltmp1:
0x161: {  	vm5 =	vmand vm6, vm5;
	v17 =	vmul.f32 $2.500000000e-01, v21;
	v14 =	vld [tilespmem:s10+$0x80];
	v16 =	vadd.f32 v10, v10;
	(pc) =	sbr.rel @p0 .LBB2_4-.Ltmp1, $4  }
0x162: {  	vm6 =	vlt.f32 v19, $5.000000070e-02;
	v15 =	vld [tilespmem:s10+$0x100];
	v21 =	vadd.f32 v24, v11  }
0x163: {  	vm5 =	vmand vm5, vm6;
	v17 =	vsel vm4, v17, v9;
	v19 =	vsub.f32 v20, v11;
	v9 =	vmovc v20  }
0x164: {  	v24 =	vsel vm5, v25, v18;
	v20 =	vsub.f32 v13, v9;
	v21 =	vadd.f32 v21, v9;
	[tilespmem:s17+$0x0] =	vst v17  }
0x165: {  	s2 =	sshll.u32 s14, $0x5;
	v22 =	vsub.f32 v22, v11;
	v18 =	vsel vm5, v26, v23;
	v17 =	vadd.f32 v12, v12;
	[tilespmem:s13+$0x0] =	vst v24  }
0x166: {  	v19 =	vand.u32 $0x7FFFFFFF, v19;
	v20 =	vand.u32 $0x7FFFFFFF, v20;
	v21 =	vadd.f32 $2.000000000e+00, v21  }
0x167: {  	v13 =	vadd.f32 v13, v13;
	vm4 =	vlt.f32 v19, $1.000000010e-01;
	vm5 =	vlt.f32 v20, $5.000000070e-02  }
0x168: {  	v16 =	vadd.f32 v14, v16;
	v57 =	vand.u32 $0x7FFFFFFF, v22;
	vm4 =	vmand vm5, vm4  }
0x169: {  	vm5 =	vlt.f32 v57, $5.000000070e-02;
	v58 =	vmul.f32 $2.500000000e-01, v21;
	v13 =	vadd.f32 v9, v13  }
0x16a: {  	v10 =	vsub.f32 v10, v14;
	v59 =	vsub.f32 v14, v15;
	vm4 =	vmand vm4, vm5  }
0x16b: {  	v17 =	vadd.f32 v17, v15;
	v19 =	vsel vm4, v58, v11;
	v11 =	vadd.f32 v11, v13  }
0x16c: {  	v12 =	vsub.f32 v12, v15;
	v16 =	vadd.f32 v15, v16;
	v10 =	vand.u32 $0x7FFFFFFF, v10  }
0x16d: {  	s2 =	sand.u32 $0x3FFFFF00, s2;
	v60 =	vand.u32 $0x7FFFFFFF, v59;
	v17 =	vadd.f32 v17, v14;
	v11 =	vadd.f32 $2.000000000e+00, v11  }
0x16e: {  	vm6 =	vlt.f32 v10, $5.000000070e-02;
	v10 =	vand.u32 $0x7FFFFFFF, v12;
	v61 =	vadd.f32 $2.000000000e+00, v16  }
0x16f: {  	s2 =	sadd.s32 $0xD200, s2;
	vm5 =	vlt.f32 v60, $1.000000010e-01;
	v62 =	vadd.f32 $2.000000000e+00, v17;
	v11 =	vmul.f32 $2.500000000e-01, v11  }
0x170: {  	[tilespmem:s13+$0x80] =	vst v18;
	s4 =	sor.u32 s11, s2;
	vm15 =	vlt.f32 v10, $5.000000070e-02;
	vm5 =	vmand vm6, vm5;
	v63 =	vmul.f32 $2.500000000e-01, v61  }
0x171: {  	[tilespmem:s4+$0x80] =	vst v19;
	vm5 =	vmand vm5, vm15;
	v10 =	vmul.f32 $2.500000000e-01, v62;
	v9 =	vsel vm4, v11, v9  }
0x172: {  	s0 =	sor.u32 s0, s2;
	v11 =	vsel vm5, v63, v14;
	[tilespmem:s4+$0x0] =	vst v9  }
0x173: {  	v9 =	vsel vm5, v10, v15;
	[tilespmem:s0+$0x0] =	vst v11  }
0x174: {  	[tilespmem:s0+$0x80] =	vst v9  }
0x175: {  	v9 =	vld.msk [tilespmem:$0xE280], $0x3;
	_ =	sdelay $0x4  }
0x176: {  	v10 =	vshrl.u32 v9, $0x3  }
0x177: {  	v10 =	vmul.u32 $0x78, v10  }
0x178: {  	v9 =	vand.u32 $0x7, v9  }
0x179: {  	v9 =	vor.u32 v9, v10  }
0x17a: {  	v9 =	vperm.xlane v9, v7;
	_ =	sdelay $0x1  }
0x17b: {  	v9 =	vadd.s32 v8, v9;
	_ =	sdelay $0x3  }
0x17c: {  	s29 =	simm.s32 $0xD200  }
0x17d: {  	[hbm4b:s18+s3] =	stream.indirect_vreg.scatter [tilespmem:s29], [sflag:$0x4], $0x80, v9, vm0, $0xb8;
	[tilespmem:$0xE300] =	vst v63  }
0x17e: {  	s30 =	simm.s32 $0xDA00  }
0x17f: {  	[hbm4b:s7+s3] =	stream.indirect_vreg.scatter [tilespmem:s30], [sflag:$0x4], $0x80, v9, vm3, $0xb8;
	[tilespmem:$0xE300] =	vst v63  }
0x180: {  	_ =	swait.ge [sflag:s1], $0x3C00  }
0x181: {  	[sflag:s1] =	ssyncset.done $0x0  }
0x182: {  	[sflag:s1] =	ssyncadd.s32 $0xFFFFC400  }
0x183: {  	_ =	swait.ge [sflag:s1], $0xF00  }
0x184: {  	s16 =	sadd.s32 $0x1, s16;
	s31 =	rddreg [dreg:$0xa]  }
0x185: {  	p0 =	sne.s32 s16, s31  }
.Ltmp2:
0x186: {  	_ = 	snop;
	(pc) =	sbr.rel @p0 .LBB2_1-.Ltmp2, $3  }
0x187: {  	_ =	sdelay $0x1  }
0x188: {  	[sflag:s1] =	ssyncset.done $0x0  }
0x189: {  	[sflag:s1] =	ssyncadd.s32 $0xFFFFF100  }
0x18a: {  	_ =	sfence.sel $0x180000  }
0x18b: {  	[bflag:$0x0] =	sbarrier.arrive $0xFFFF  }
0x18c: {  	_ =	strace $0x90000047  }
0x18d: {  	s0 =	stileid.u32;
	[bflag:$0x2] =	sbarrier.arrive $0xFFFF  }
0x18e: {  	p0 =	sne.s32 s0, $0x0;
	s0 =	rddreg [dreg:$0x2]  }
0x18f: {  	s0 =	sadd.s32 @!p0 $0x100000, s0  }
0x190: {  	[sflag:s0] =	ssyncadd.tile.s32 @!p0 $0x1;
	_ =	shalt  }
.Lfunc_end2:
_tile_overlayer_lowered:
.L_overlay_start_2:
0x191: {  	(tag) =	ssettag $0x2  }
0x192: {  	s0 =	rddreg [dreg:$0x0];
	s2 =	stileid.u32  }
0x193: {  	s1 =	rddreg [dreg:$0x1];
	p0 =	sne.s32 s2, $0x0  }
0x194: {  	s3 =	rddreg [dreg:$0x2];
	[bflag:$0x3] =	sbarrier.arrive $0xFFFF;
	s2 =	simm.s32 @!p0 $0x1C05  }
0x195: {  	[timem:s3], [sflag:s2] =	dma.local @!p0 [hbm:s0], s1  }
0x196: {  	s0 =	simm.s32 @!p0 $0x5  }
0x197: {  	_ =	swait.ge @!p0 [sflag:s0], s1  }
0x198: {  	s1 =	ssub.s32 @!p0 $0x0, s1;
	[sflag:s0] =	ssyncset.done @!p0 $0x0  }
0x199: {  	[sflag:s0] =	ssyncadd.s32 @!p0 s1  }
0x19a: {  	[bflag:$0x3] =	sbarrier.arrive $0xFFFF  }
0x19b: {  	_ =	shalt  }

</sc_bundles>
